<compile_context>
chip_gen: v7x
topology: tpu7x:2x2x1
jax: 0.10.2.dev20260603
libtpu: 0.0.44.dev20260713+nightly
codegen_flags: <defaults>
</compile_context>

<pallas_src>
import functools

import jax
import jax.numpy as jnp
from jax import lax
from jax.experimental import pallas as pl
from jax.experimental.pallas import tpu as pltpu
from jax.experimental.pallas import tpu_sc as plsc

NC = 2
NS = 16
LANES = 16

_MESH = dict(core_axis_name="c", subcore_axis_name="s")
_SC_PARAMS = pltpu.CompilerParams(use_tc_tiling_on_sc=False)


def _pick_chunk(ept, cap):
    best = None
    for c in range(8, cap + 1, 8):
        if ept % c == 0:
            best = c
    return best


def _sc_degree(dst, n_pad, ch):
    e = dst.shape[0]
    tiles = NC * NS
    ept = e // tiles
    slc = n_pad // NS

    @functools.partial(
        pl.kernel,
        out_type=jax.ShapeDtypeStruct((NC * n_pad,), jnp.float32),
        mesh=plsc.VectorSubcoreMesh(**_MESH),
        compiler_params=_SC_PARAMS,
        scratch_types=[
            pltpu.VMEM((ch,), jnp.int32),
            pltpu.VMEM((ch,), jnp.float32),
            pltpu.VMEM((slc,), jnp.float32),
            pltpu.VMEM_SHARED((n_pad,), jnp.float32),
            pltpu.SemaphoreType.DMA,
        ],
    )
    def deg_kernel(dst_hbm, out_hbm, idx_v, ones_v, zero_v, acc_sh, sem):
        c = lax.axis_index("c")
        s = lax.axis_index("s")
        wid = c * NS + s

        @pl.loop(0, ch, step=LANES)
        def _(i):
            ones_v[pl.ds(i, LANES)] = jnp.full((LANES,), 1.0, jnp.float32)

        @pl.loop(0, slc, step=LANES)
        def _(i):
            zero_v[pl.ds(i, LANES)] = jnp.zeros((LANES,), jnp.float32)

        pltpu.sync_copy(zero_v, acc_sh.at[pl.ds(s * slc, slc)])
        plsc.subcore_barrier()

        @pl.loop(0, ept, step=ch)
        def _(g):
            pltpu.sync_copy(dst_hbm.at[pl.ds(wid * ept + g, ch)], idx_v)
            pltpu.sync_copy(ones_v, acc_sh.at[idx_v], add=True)

        plsc.subcore_barrier()
        pltpu.sync_copy(acc_sh.at[pl.ds(s * slc, slc)], zero_v)
        pltpu.sync_copy(zero_v, out_hbm.at[pl.ds(c * n_pad + s * slc, slc)])

    return deg_kernel(dst)


def _sc_aggregate(table, src, dst, n_pad, ch):
    e = src.shape[0]
    d = table.shape[1]
    tiles = NC * NS
    ept = e // tiles
    slc = n_pad // NS
    n_ch = ept // ch

    @functools.partial(
        pl.kernel,
        out_type=jax.ShapeDtypeStruct((NC, n_pad, d), jnp.float32),
        mesh=plsc.VectorSubcoreMesh(**_MESH),
        compiler_params=_SC_PARAMS,
        scratch_types=[
            pltpu.VMEM((ept,), jnp.int32),
            pltpu.VMEM((n_ch, ch), jnp.int32),
            pltpu.VMEM((ch, d), jnp.float32),
            pltpu.VMEM((ch, d), jnp.float32),
            pltpu.VMEM((slc // 2, d), jnp.float32),
            pltpu.VMEM_SHARED((n_pad, d), jnp.float32),
            pltpu.SemaphoreType.DMA,
            pltpu.SemaphoreType.DMA,
        ],
    )
    def agg_kernel(t_hbm, src_hbm, dst3_hbm, out_hbm,
                   si_v, di_v, rows0_v, rows1_v, stage_v, acc_sh, sem0, sem1):
        c = lax.axis_index("c")
        s = lax.axis_index("s")
        wid = c * NS + s
        rows = (rows0_v, rows1_v)
        sems = (sem0, sem1)

        pltpu.sync_copy(src_hbm.at[pl.ds(wid * ept, ept)], si_v)
        pltpu.sync_copy(dst3_hbm.at[wid], di_v)

        half = slc // 2

        @pl.loop(0, half)
        def _(r):
            @pl.loop(0, d, step=LANES)
            def _(f):
                stage_v[r, pl.ds(f, LANES)] = jnp.zeros((LANES,), jnp.float32)

        pltpu.sync_copy(stage_v, acc_sh.at[pl.ds(s * slc, half)])
        pltpu.sync_copy(stage_v, acc_sh.at[pl.ds(s * slc + half, half)])
        plsc.subcore_barrier()

        for b in range(2):
            pltpu.async_copy(t_hbm.at[si_v.at[pl.ds(b * ch, ch)]],
                             rows[b], sems[b])

        @pl.loop(0, n_ch, step=2)
        def _(g0):
            for b in range(2):
                g = g0 + b
                pltpu.make_async_copy(
                    t_hbm.at[si_v.at[pl.ds(0, ch)]], rows[b], sems[b]).wait()
                pltpu.sync_copy(rows[b], acc_sh.at[di_v.at[g]], add=True)

                @pl.when(g + 2 < n_ch)
                def _():
                    pltpu.async_copy(
                        t_hbm.at[si_v.at[pl.ds((g + 2) * ch, ch)]],
                        rows[b], sems[b])

        plsc.subcore_barrier()
        for k in range(2):
            pltpu.sync_copy(acc_sh.at[pl.ds(s * slc + k * half, half)],
                            stage_v)
            pltpu.sync_copy(stage_v,
                            out_hbm.at[c, pl.ds(s * slc + k * half, half)])

    return agg_kernel(table, src, dst.reshape(tiles, n_ch, ch))


def _tc_matmul(a, w):
    n, k = a.shape
    m = w.shape[1]
    rb = 1000

    def body(a_ref, w_ref, o_ref):
        o_ref[...] = jnp.dot(a_ref[...], w_ref[...],
                             preferred_element_type=jnp.float32)

    return pl.pallas_call(
        body,
        grid=(n // rb,),
        in_specs=[pl.BlockSpec((rb, k), lambda i: (i, 0)),
                  pl.BlockSpec((k, m), lambda i: (0, 0))],
        out_specs=pl.BlockSpec((rb, m), lambda i: (i, 0)),
        out_shape=jax.ShapeDtypeStruct((n, m), jnp.float32),
    )(a, w)


def _tc_scale(xw, d0, d1):
    n, m = xw.shape
    rb = 1000

    def body(xw_ref, d0_ref, d1_ref, t_ref, dinv_ref):
        deg = d0_ref[...] + d1_ref[...] + 1.0
        dinv = lax.rsqrt(jnp.maximum(deg, 1.0))
        dinv_ref[...] = dinv
        t_ref[...] = xw_ref[...] * dinv

    return pl.pallas_call(
        body,
        grid=(n // rb,),
        in_specs=[pl.BlockSpec((rb, m), lambda i: (i, 0)),
                  pl.BlockSpec((rb, 1), lambda i: (i, 0)),
                  pl.BlockSpec((rb, 1), lambda i: (i, 0))],
        out_specs=[pl.BlockSpec((rb, m), lambda i: (i, 0)),
                   pl.BlockSpec((rb, 1), lambda i: (i, 0))],
        out_shape=[jax.ShapeDtypeStruct((n, m), jnp.float32),
                   jax.ShapeDtypeStruct((n, 1), jnp.float32)],
    )(xw, d0, d1)


def _tc_relu_scale(s_a, s_b, t, dinv, b):
    n, m = t.shape
    rb = 1000

    def body(sa_ref, sb_ref, t_ref, dinv_ref, b_ref, o_ref):
        dinv = dinv_ref[...]
        h = dinv * (sa_ref[...] + sb_ref[...] + t_ref[...]) + b_ref[...]
        o_ref[...] = dinv * jnp.maximum(h, 0.0)

    return pl.pallas_call(
        body,
        grid=(n // rb,),
        in_specs=[pl.BlockSpec((rb, m), lambda i: (i, 0)),
                  pl.BlockSpec((rb, m), lambda i: (i, 0)),
                  pl.BlockSpec((rb, m), lambda i: (i, 0)),
                  pl.BlockSpec((rb, 1), lambda i: (i, 0)),
                  pl.BlockSpec((1, m), lambda i: (0, 0))],
        out_specs=pl.BlockSpec((rb, m), lambda i: (i, 0)),
        out_shape=jax.ShapeDtypeStruct((n, m), jnp.float32),
    )(s_a, s_b, t, dinv, b)


def _tc_final(s_a, s_b, t, dinv, w2, b2):
    n, k = t.shape
    m = w2.shape[1]
    rb = 1000

    def body(sa_ref, sb_ref, t_ref, dinv_ref, w_ref, b_ref, o_ref):
        z = dinv_ref[...] * (sa_ref[...] + sb_ref[...] + t_ref[...])
        o_ref[...] = jnp.dot(z, w_ref[...],
                             preferred_element_type=jnp.float32) + b_ref[...]

    return pl.pallas_call(
        body,
        grid=(n // rb,),
        in_specs=[pl.BlockSpec((rb, k), lambda i: (i, 0)),
                  pl.BlockSpec((rb, k), lambda i: (i, 0)),
                  pl.BlockSpec((rb, k), lambda i: (i, 0)),
                  pl.BlockSpec((rb, 1), lambda i: (i, 0)),
                  pl.BlockSpec((k, m), lambda i: (0, 0)),
                  pl.BlockSpec((1, m), lambda i: (0, 0))],
        out_specs=pl.BlockSpec((rb, m), lambda i: (i, 0)),
        out_shape=jax.ShapeDtypeStruct((n, m), jnp.float32),
    )(s_a, s_b, t, dinv, w2, b2)


def kernel(x, edge_index, W1, b1, W2, b2):
    n = x.shape[0]
    e = edge_index.shape[1]
    d_hid = W1.shape[1]

    tiles = NC * NS
    assert e % tiles == 0
    ept = e // tiles
    ch_deg = _pick_chunk(ept, 2000)
    ch_agg = _pick_chunk(ept, 200)
    n_pad = ((n + NS * 8 - 1) // (NS * 8)) * (NS * 8)

    src = edge_index[0]
    dst = edge_index[1]

    deg_parts = _sc_degree(dst, n_pad, ch_deg)
    xw = _tc_matmul(x, W1)

    d0 = deg_parts[:n].reshape(n, 1)
    d1 = deg_parts[n_pad:n_pad + n].reshape(n, 1)
    t1, dinv = _tc_scale(xw, d0, d1)

    s1 = _sc_aggregate(t1, src, dst, n_pad, ch_agg)
    t2 = _tc_relu_scale(s1[0, :n], s1[1, :n], t1, dinv,
                        b1.reshape(1, d_hid))

    s2 = _sc_aggregate(t2, src, dst, n_pad, ch_agg)
    out = _tc_final(s2[0, :n], s2[1, :n], t2, dinv, W2,
                    b2.reshape(1, W2.shape[1]))
    return out

# --- scband reference (transcript-rebuilt; emitter-appended) ---
"""Pipeline reference for scband-gcn-28707561406849 (READ-ONLY COPY).

The authoritative reference and input builder live on the scoring server;
editing this copy changes nothing except your own understanding.
"""

import jax, jax.numpy as jnp
import numpy as np

N = 10000
E = 320000
D_IN = 128
D_HID = 64
D_OUT = 128


def setup_inputs(seed: int = 0) -> dict:
    key = jax.random.key(seed)
    k1, k2, k3, k4, k5, k6 = jax.random.split(key, 6)
    x = jax.random.normal(k1, (N, D_IN), dtype=jnp.float32)
    edge_index = jax.random.randint(k2, (2, E), 0, N, dtype=jnp.int32)
    W1 = jax.random.normal(k3, (D_IN, D_HID), dtype=jnp.float32) * (1.0 / np.sqrt(D_IN))
    b1 = jnp.zeros((D_HID,), dtype=jnp.float32)
    W2 = jax.random.normal(k4, (D_HID, D_OUT), dtype=jnp.float32) * (1.0 / np.sqrt(D_HID))
    b2 = jnp.zeros((D_OUT,), dtype=jnp.float32)
    return {"x": x, "edge_index": edge_index, "W1": W1, "b1": b1, "W2": W2, "b2": b2}


def _gcn_conv(x, edge_index, W, b):
    # GCNConv: add self-loops, symmetric normalization D^-1/2 (A+I) D^-1/2 X W + b
    loop = jnp.arange(N, dtype=edge_index.dtype)
    src = jnp.concatenate([edge_index[0], loop])
    dst = jnp.concatenate([edge_index[1], loop])
    ones = jnp.ones(src.shape[0], dtype=jnp.float32)
    deg = jax.ops.segment_sum(ones, dst, num_segments=N)
    dinv = jax.lax.rsqrt(jnp.maximum(deg, 1.0))
    norm = dinv[src] * dinv[dst]
    xw = x @ W
    msg = jnp.take(xw, src, axis=0) * norm[:, None]
    out = jax.ops.segment_sum(msg, dst, num_segments=N)
    return out + b


def reference(x, edge_index, W1, b1, W2, b2):
    h = jax.nn.relu(_gcn_conv(x, edge_index, W1, b1))
    out = _gcn_conv(h, edge_index, W2, b2)
    return out

if __name__ == "__main__":
    import jax
    _d = setup_inputs()
    print(jax.jit(kernel)(*tuple(_d.values())))

</pallas_src>

<mosaic_0001>
#map = affine_map<(d0, d1) -> (0, 0)>
#map1 = affine_map<(d0, d1) -> (0)>
#map2 = affine_map<(d0, d1) -> (0, 0, 0)>
module attributes {stable_mosaic.version = 14 : i64} {
  func.func @agg_kernel(%arg0: i32, %arg1: i32, %arg2: memref<10000x64xf32, #tpu.memory_space<hbm>>, %arg3: memref<320000xi32, #tpu.memory_space<hbm>>, %arg4: memref<32x50x200xi32, #tpu.memory_space<hbm>>, %arg5: memref<2x10112x64xf32, #tpu.memory_space<hbm>>, %arg6: memref<10000xi32, #tpu.memory_space<vmem>>, %arg7: memref<50x200xi32, #tpu.memory_space<vmem>>, %arg8: memref<200x64xf32, #tpu.memory_space<vmem>>, %arg9: memref<200x64xf32, #tpu.memory_space<vmem>>, %arg10: memref<316x64xf32, #tpu.memory_space<vmem>>, %arg11: memref<10112x64xf32, #tpu.memory_space<vmem_shared>>, %arg12: memref<!tpu.dma_semaphore, #tpu.memory_space<semaphore_mem>>, %arg13: memref<!tpu.dma_semaphore, #tpu.memory_space<semaphore_mem>>) attributes {dimension_semantics = [#tpu.dimension_semantics<core_parallel>, #tpu.dimension_semantics<subcore_parallel>], iteration_bounds = array<i64: 2, 16>, scalar_prefetch = 0 : i64, scratch_operands = 8 : i64, tpu.core_type = #tpu.core_type<sc_vector_subcore>, window_params = [{transform_indices = #map}, {transform_indices = #map1}, {transform_indices = #map2}, {transform_indices = #map2}]} {
    %mul3A = arith.constant 16 : i32
    %mul3A_0 = arith.muli %arg0, %mul3A : i32
    %add3A = arith.addi %mul3A_0, %arg1 : i32
    %mul3A_1 = arith.constant 10000 : i32
    %mul3A_2 = arith.muli %add3A, %mul3A_1 : i32
    "tpu.region"() ({
      %run_scoped3A = tpu.sem_alloc : memref<!tpu.dma_semaphore, #tpu.memory_space<semaphore_mem>>
      %dma_start3A_44 = tpu.memref_slice %arg3[%mul3A_2] : memref<320000xi32, #tpu.memory_space<hbm>> -> memref<10000xi32, #tpu.memory_space<hbm>>
      %dma_start3A_45 = tpu.memref_slice %arg3[%mul3A_2] : memref<320000xi32, #tpu.memory_space<hbm>> -> memref<10000xi32, #tpu.memory_space<hbm>>
      tpu.enqueue_dma source(%dma_start3A_45 : memref<10000xi32, #tpu.memory_space<hbm>>) target(%arg6 : memref<10000xi32, #tpu.memory_space<vmem>>) target_semaphore(%run_scoped3A : memref<!tpu.dma_semaphore, #tpu.memory_space<semaphore_mem>>)
      %dma_wait3A = tpu.memref_slice %arg3[%mul3A_2] : memref<320000xi32, #tpu.memory_space<hbm>> -> memref<10000xi32, #tpu.memory_space<hbm>>
      %dma_wait3A_46 = tpu.memref_slice %arg3[%mul3A_2] : memref<320000xi32, #tpu.memory_space<hbm>> -> memref<10000xi32, #tpu.memory_space<hbm>>
      tpu.wait_dma2 semaphore(%run_scoped3A : memref<!tpu.dma_semaphore, #tpu.memory_space<semaphore_mem>>) src(%dma_wait3A_46 : memref<10000xi32, #tpu.memory_space<hbm>>) dst(%arg6 : memref<10000xi32, #tpu.memory_space<vmem>>)
      tpu.yield
    }) : () -> ()
    "tpu.region"() ({
      %run_scoped3A = tpu.sem_alloc : memref<!tpu.dma_semaphore, #tpu.memory_space<semaphore_mem>>
      %dma_start3A_44 = arith.constant 0 : i32
      %dma_start3A_45 = arith.constant 0 : i32
      %dma_start3A_46 = tpu.memref_slice %arg4[%add3A, %dma_start3A_44, %dma_start3A_45] : memref<32x50x200xi32, #tpu.memory_space<hbm>> -> memref<1x50x200xi32, #tpu.memory_space<hbm>>
      %dma_start3A_47 = tpu.memref_squeeze %dma_start3A_46 : memref<1x50x200xi32, #tpu.memory_space<hbm>> -> memref<50x200xi32, #tpu.memory_space<hbm>>
      %dma_start3A_48 = arith.constant 0 : i32
      %dma_start3A_49 = arith.constant 0 : i32
      %dma_start3A_50 = tpu.memref_slice %arg4[%add3A, %dma_start3A_48, %dma_start3A_49] : memref<32x50x200xi32, #tpu.memory_space<hbm>> -> memref<1x50x200xi32, #tpu.memory_space<hbm>>
      %dma_start3A_51 = tpu.memref_squeeze %dma_start3A_50 : memref<1x50x200xi32, #tpu.memory_space<hbm>> -> memref<50x200xi32, #tpu.memory_space<hbm>>
      tpu.enqueue_dma source(%dma_start3A_51 : memref<50x200xi32, #tpu.memory_space<hbm>>) target(%arg7 : memref<50x200xi32, #tpu.memory_space<vmem>>) target_semaphore(%run_scoped3A : memref<!tpu.dma_semaphore, #tpu.memory_space<semaphore_mem>>)
      %dma_wait3A = arith.constant 0 : i32
      %dma_wait3A_52 = arith.constant 0 : i32
      %dma_wait3A_53 = tpu.memref_slice %arg4[%add3A, %dma_wait3A, %dma_wait3A_52] : memref<32x50x200xi32, #tpu.memory_space<hbm>> -> memref<1x50x200xi32, #tpu.memory_space<hbm>>
      %dma_wait3A_54 = tpu.memref_squeeze %dma_wait3A_53 : memref<1x50x200xi32, #tpu.memory_space<hbm>> -> memref<50x200xi32, #tpu.memory_space<hbm>>
      %dma_wait3A_55 = arith.constant 0 : i32
      %dma_wait3A_56 = arith.constant 0 : i32
      %dma_wait3A_57 = tpu.memref_slice %arg4[%add3A, %dma_wait3A_55, %dma_wait3A_56] : memref<32x50x200xi32, #tpu.memory_space<hbm>> -> memref<1x50x200xi32, #tpu.memory_space<hbm>>
      %dma_wait3A_58 = tpu.memref_squeeze %dma_wait3A_57 : memref<1x50x200xi32, #tpu.memory_space<hbm>> -> memref<50x200xi32, #tpu.memory_space<hbm>>
      tpu.wait_dma2 semaphore(%run_scoped3A : memref<!tpu.dma_semaphore, #tpu.memory_space<semaphore_mem>>) src(%dma_wait3A_58 : memref<50x200xi32, #tpu.memory_space<hbm>>) dst(%arg7 : memref<50x200xi32, #tpu.memory_space<vmem>>)
      tpu.yield
    }) : () -> ()
    %scan3A = arith.constant 0 : i32
    %scan3A_3 = arith.constant 316 : i32
    %scan3A_4 = arith.addi %scan3A, %scan3A_3 : i32
    %scan3A_5 = arith.constant 1 : i32
    scf.for %scan3A_44 = %scan3A to %scan3A_4 step %scan3A_5  : i32 {
      %mul3A_45 = arith.constant 1 : i32
      %mul3A_46 = arith.muli %scan3A_44, %mul3A_45 : i32
      %add3A_47 = arith.constant 0 : i32
      %add3A_48 = arith.addi %add3A_47, %mul3A_46 : i32
      %scan3A_49 = arith.constant 0 : i32
      %scan3A_50 = arith.constant 4 : i32
      %scan3A_51 = arith.addi %scan3A_49, %scan3A_50 : i32
      %scan3A_52 = arith.constant 1 : i32
      scf.for %scan3A_54 = %scan3A_49 to %scan3A_51 step %scan3A_52  : i32 {
        %mul3A_55 = arith.constant 16 : i32
        %mul3A_56 = arith.muli %scan3A_54, %mul3A_55 : i32
        %add3A_57 = arith.constant 0 : i32
        %add3A_58 = arith.addi %add3A_57, %mul3A_56 : i32
        %broadcast_in_dim3A = arith.constant 0.000000e+00 : f32
        %broadcast_in_dim3A_59 = vector.broadcast %broadcast_in_dim3A : f32 to vector<16xf32>
        %swap3A = arith.index_cast %add3A_48 : i32 to index
        %swap3A_60 = arith.index_cast %add3A_58 : i32 to index
        %swap3A_61 = tpu.vector_load %arg10[%swap3A, %swap3A_60] {strides = array<i32>} : memref<316x64xf32, #tpu.memory_space<vmem>>, vector<1x16xf32>,
        %swap3A_62 = vector.shape_cast %swap3A_61 : vector<1x16xf32> to vector<16xf32>
        %swap3A_63 = vector.shape_cast %broadcast_in_dim3A_59 : vector<16xf32> to vector<1x16xf32>
        tpu.vector_store %arg10[%swap3A, %swap3A_60], %swap3A_63 {strides = array<i32>} : memref<316x64xf32, #tpu.memory_space<vmem>>, vector<1x16xf32>,
      }
      %scan3A_53 = arith.constant 4 : i32
    }
    %scan3A_6 = arith.constant 316 : i32
    %mul3A_7 = arith.constant 632 : i32
    %mul3A_8 = arith.muli %arg1, %mul3A_7 : i32
    "tpu.region"() ({
      %run_scoped3A = tpu.sem_alloc : memref<!tpu.dma_semaphore, #tpu.memory_space<semaphore_mem>>
      %dma_start3A_44 = arith.constant 0 : i32
      %dma_start3A_45 = tpu.memref_slice %arg11[%mul3A_8, %dma_start3A_44] : memref<10112x64xf32, #tpu.memory_space<vmem_shared>> -> memref<316x64xf32, #tpu.memory_space<vmem_shared>>
      %dma_start3A_46 = arith.constant 0 : i32
      %dma_start3A_47 = tpu.memref_slice %arg11[%mul3A_8, %dma_start3A_46] : memref<10112x64xf32, #tpu.memory_space<vmem_shared>> -> memref<316x64xf32, #tpu.memory_space<vmem_shared>>
      tpu.enqueue_dma source(%arg10 : memref<316x64xf32, #tpu.memory_space<vmem>>) target(%dma_start3A_47 : memref<316x64xf32, #tpu.memory_space<vmem_shared>>) target_semaphore(%run_scoped3A : memref<!tpu.dma_semaphore, #tpu.memory_space<semaphore_mem>>)
      %dma_wait3A = arith.constant 0 : i32
      %dma_wait3A_48 = tpu.memref_slice %arg11[%mul3A_8, %dma_wait3A] : memref<10112x64xf32, #tpu.memory_space<vmem_shared>> -> memref<316x64xf32, #tpu.memory_space<vmem_shared>>
      %dma_wait3A_49 = arith.constant 0 : i32
      %dma_wait3A_50 = tpu.memref_slice %arg11[%mul3A_8, %dma_wait3A_49] : memref<10112x64xf32, #tpu.memory_space<vmem_shared>> -> memref<316x64xf32, #tpu.memory_space<vmem_shared>>
      tpu.wait_dma2 semaphore(%run_scoped3A : memref<!tpu.dma_semaphore, #tpu.memory_space<semaphore_mem>>) src(%arg10 : memref<316x64xf32, #tpu.memory_space<vmem>>) dst(%dma_wait3A_50 : memref<316x64xf32, #tpu.memory_space<vmem_shared>>)
      tpu.yield
    }) : () -> ()
    %mul3A_9 = arith.constant 632 : i32
    %mul3A_10 = arith.muli %arg1, %mul3A_9 : i32
    %add3A_11 = arith.constant 316 : i32
    %add3A_12 = arith.addi %mul3A_10, %add3A_11 : i32
    "tpu.region"() ({
      %run_scoped3A = tpu.sem_alloc : memref<!tpu.dma_semaphore, #tpu.memory_space<semaphore_mem>>
      %dma_start3A_44 = arith.constant 0 : i32
      %dma_start3A_45 = tpu.memref_slice %arg11[%add3A_12, %dma_start3A_44] : memref<10112x64xf32, #tpu.memory_space<vmem_shared>> -> memref<316x64xf32, #tpu.memory_space<vmem_shared>>
      %dma_start3A_46 = arith.constant 0 : i32
      %dma_start3A_47 = tpu.memref_slice %arg11[%add3A_12, %dma_start3A_46] : memref<10112x64xf32, #tpu.memory_space<vmem_shared>> -> memref<316x64xf32, #tpu.memory_space<vmem_shared>>
      tpu.enqueue_dma source(%arg10 : memref<316x64xf32, #tpu.memory_space<vmem>>) target(%dma_start3A_47 : memref<316x64xf32, #tpu.memory_space<vmem_shared>>) target_semaphore(%run_scoped3A : memref<!tpu.dma_semaphore, #tpu.memory_space<semaphore_mem>>)
      %dma_wait3A = arith.constant 0 : i32
      %dma_wait3A_48 = tpu.memref_slice %arg11[%add3A_12, %dma_wait3A] : memref<10112x64xf32, #tpu.memory_space<vmem_shared>> -> memref<316x64xf32, #tpu.memory_space<vmem_shared>>
      %dma_wait3A_49 = arith.constant 0 : i32
      %dma_wait3A_50 = tpu.memref_slice %arg11[%add3A_12, %dma_wait3A_49] : memref<10112x64xf32, #tpu.memory_space<vmem_shared>> -> memref<316x64xf32, #tpu.memory_space<vmem_shared>>
      tpu.wait_dma2 semaphore(%run_scoped3A : memref<!tpu.dma_semaphore, #tpu.memory_space<semaphore_mem>>) src(%arg10 : memref<316x64xf32, #tpu.memory_space<vmem>>) dst(%dma_wait3A_50 : memref<316x64xf32, #tpu.memory_space<vmem_shared>>)
      tpu.yield
    }) : () -> ()
    %barrier3A = arith.constant 0 : index
    tpu.barrier barrier_id(%barrier3A)
    %dma_start3A = arith.constant 0 : i32
    %dma_start3A_13 = tpu.memref_slice %arg6[%dma_start3A] : memref<10000xi32, #tpu.memory_space<vmem>> -> memref<200xi32, #tpu.memory_space<vmem>>
    %dma_start3A_14 = arith.constant 0 : i32
    %dma_start3A_15 = arith.constant 0 : i32
    %dma_start3A_16 = tpu.memref_slice %arg2[%dma_start3A_14, %dma_start3A_15] : memref<10000x64xf32, #tpu.memory_space<hbm>> -> memref<10000x64xf32, #tpu.memory_space<hbm>>
    tpu.enqueue_indirect_dma source(%dma_start3A_16 : memref<10000x64xf32, #tpu.memory_space<hbm>>) target(%arg8 : memref<200x64xf32, #tpu.memory_space<vmem>>) offsets(%dma_start3A_13 : memref<200xi32, #tpu.memory_space<vmem>>) semaphore(%arg12 : memref<!tpu.dma_semaphore, #tpu.memory_space<semaphore_mem>>)
    %dma_start3A_17 = arith.constant 200 : i32
    %dma_start3A_18 = tpu.memref_slice %arg6[%dma_start3A_17] : memref<10000xi32, #tpu.memory_space<vmem>> -> memref<200xi32, #tpu.memory_space<vmem>>
    %dma_start3A_19 = arith.constant 0 : i32
    %dma_start3A_20 = arith.constant 0 : i32
    %dma_start3A_21 = tpu.memref_slice %arg2[%dma_start3A_19, %dma_start3A_20] : memref<10000x64xf32, #tpu.memory_space<hbm>> -> memref<10000x64xf32, #tpu.memory_space<hbm>>
    tpu.enqueue_indirect_dma source(%dma_start3A_21 : memref<10000x64xf32, #tpu.memory_space<hbm>>) target(%arg9 : memref<200x64xf32, #tpu.memory_space<vmem>>) offsets(%dma_start3A_18 : memref<200xi32, #tpu.memory_space<vmem>>) semaphore(%arg13 : memref<!tpu.dma_semaphore, #tpu.memory_space<semaphore_mem>>)
    %scan3A_22 = arith.constant 0 : i32
    %scan3A_23 = arith.constant 25 : i32
    %scan3A_24 = arith.addi %scan3A_22, %scan3A_23 : i32
    %scan3A_25 = arith.constant 1 : i32
    scf.for %scan3A_44 = %scan3A_22 to %scan3A_24 step %scan3A_25  : i32 {
      %mul3A_45 = arith.constant 2 : i32
      %mul3A_46 = arith.muli %scan3A_44, %mul3A_45 : i32
      %add3A_47 = arith.constant 0 : i32
      %add3A_48 = arith.addi %add3A_47, %mul3A_46 : i32
      %add3A_49 = arith.constant 0 : i32
      %add3A_50 = arith.addi %add3A_48, %add3A_49 : i32
      %dma_wait3A = arith.constant 0 : i32
      %dma_wait3A_51 = tpu.memref_slice %arg6[%dma_wait3A] : memref<10000xi32, #tpu.memory_space<vmem>> -> memref<200xi32, #tpu.memory_space<vmem>>
      %dma_wait3A_52 = arith.constant 0 : i32
      %dma_wait3A_53 = arith.constant 0 : i32
      %dma_wait3A_54 = tpu.memref_slice %arg2[%dma_wait3A_52, %dma_wait3A_53] : memref<10000x64xf32, #tpu.memory_space<hbm>> -> memref<10000x64xf32, #tpu.memory_space<hbm>>
      tpu.wait_indirect_dma semaphore(%arg12 : memref<!tpu.dma_semaphore, #tpu.memory_space<semaphore_mem>>) src(%dma_wait3A_54 : memref<10000x64xf32, #tpu.memory_space<hbm>>) dst(%arg8 : memref<200x64xf32, #tpu.memory_space<vmem>>)
      "tpu.region"() ({
        %run_scoped3A = tpu.sem_alloc : memref<!tpu.dma_semaphore, #tpu.memory_space<semaphore_mem>>
        %dma_start3A_73 = arith.constant 0 : i32
        %dma_start3A_74 = tpu.memref_slice %arg7[%add3A_50, %dma_start3A_73] : memref<50x200xi32, #tpu.memory_space<vmem>> -> memref<1x200xi32, #tpu.memory_space<vmem>>
        %dma_start3A_75 = tpu.memref_squeeze %dma_start3A_74 : memref<1x200xi32, #tpu.memory_space<vmem>> -> memref<200xi32, #tpu.memory_space<vmem>>
        %dma_start3A_76 = arith.constant 0 : i32
        %dma_start3A_77 = arith.constant 0 : i32
        %dma_start3A_78 = tpu.memref_slice %arg11[%dma_start3A_76, %dma_start3A_77] : memref<10112x64xf32, #tpu.memory_space<vmem_shared>> -> memref<10112x64xf32, #tpu.memory_space<vmem_shared>>
        tpu.enqueue_indirect_dma source(%arg8 : memref<200x64xf32, #tpu.memory_space<vmem>>) target(%dma_start3A_78 : memref<10112x64xf32, #tpu.memory_space<vmem_shared>>) offsets(%dma_start3A_75 : memref<200xi32, #tpu.memory_space<vmem>>) semaphore(%run_scoped3A : memref<!tpu.dma_semaphore, #tpu.memory_space<semaphore_mem>>) {add = true}
        %dma_wait3A_79 = arith.constant 0 : i32
        %dma_wait3A_80 = tpu.memref_slice %arg7[%add3A_50, %dma_wait3A_79] : memref<50x200xi32, #tpu.memory_space<vmem>> -> memref<1x200xi32, #tpu.memory_space<vmem>>
        %dma_wait3A_81 = tpu.memref_squeeze %dma_wait3A_80 : memref<1x200xi32, #tpu.memory_space<vmem>> -> memref<200xi32, #tpu.memory_space<vmem>>
        %dma_wait3A_82 = arith.constant 0 : i32
        %dma_wait3A_83 = arith.constant 0 : i32
        %dma_wait3A_84 = tpu.memref_slice %arg11[%dma_wait3A_82, %dma_wait3A_83] : memref<10112x64xf32, #tpu.memory_space<vmem_shared>> -> memref<10112x64xf32, #tpu.memory_space<vmem_shared>>
        tpu.wait_indirect_dma semaphore(%run_scoped3A : memref<!tpu.dma_semaphore, #tpu.memory_space<semaphore_mem>>) src(%arg8 : memref<200x64xf32, #tpu.memory_space<vmem>>) dst(%dma_wait3A_84 : memref<10112x64xf32, #tpu.memory_space<vmem_shared>>)
        tpu.yield
      }) : () -> ()
      %add3A_55 = arith.constant 2 : i32
      %add3A_56 = arith.addi %add3A_50, %add3A_55 : i32
      %lt3A = arith.constant 50 : i32
      %lt3A_57 = arith.cmpi slt, %add3A_56, %lt3A : i32
      %convert_element_type3A = arith.extui %lt3A_57 : i1 to i32
      %cond3A = arith.constant 0 : i32
      %cond3A_58 = arith.cmpi ne, %convert_element_type3A, %cond3A : i32
      scf.if %cond3A_58 {
        %add3A_73 = arith.constant 2 : i32
        %add3A_74 = arith.addi %add3A_50, %add3A_73 : i32
        %mul3A_75 = arith.constant 200 : i32
        %mul3A_76 = arith.muli %add3A_74, %mul3A_75 : i32
        %dma_start3A_77 = tpu.memref_slice %arg6[%mul3A_76] : memref<10000xi32, #tpu.memory_space<vmem>> -> memref<200xi32, #tpu.memory_space<vmem>>
        %dma_start3A_78 = arith.constant 0 : i32
        %dma_start3A_79 = arith.constant 0 : i32
        %dma_start3A_80 = tpu.memref_slice %arg2[%dma_start3A_78, %dma_start3A_79] : memref<10000x64xf32, #tpu.memory_space<hbm>> -> memref<10000x64xf32, #tpu.memory_space<hbm>>
        tpu.enqueue_indirect_dma source(%dma_start3A_80 : memref<10000x64xf32, #tpu.memory_space<hbm>>) target(%arg8 : memref<200x64xf32, #tpu.memory_space<vmem>>) offsets(%dma_start3A_77 : memref<200xi32, #tpu.memory_space<vmem>>) semaphore(%arg12 : memref<!tpu.dma_semaphore, #tpu.memory_space<semaphore_mem>>)
      } else {
      }
      %add3A_59 = arith.constant 1 : i32
      %add3A_60 = arith.addi %add3A_48, %add3A_59 : i32
      %dma_wait3A_61 = arith.constant 0 : i32
      %dma_wait3A_62 = tpu.memref_slice %arg6[%dma_wait3A_61] : memref<10000xi32, #tpu.memory_space<vmem>> -> memref<200xi32, #tpu.memory_space<vmem>>
      %dma_wait3A_63 = arith.constant 0 : i32
      %dma_wait3A_64 = arith.constant 0 : i32
      %dma_wait3A_65 = tpu.memref_slice %arg2[%dma_wait3A_63, %dma_wait3A_64] : memref<10000x64xf32, #tpu.memory_space<hbm>> -> memref<10000x64xf32, #tpu.memory_space<hbm>>
      tpu.wait_indirect_dma semaphore(%arg13 : memref<!tpu.dma_semaphore, #tpu.memory_space<semaphore_mem>>) src(%dma_wait3A_65 : memref<10000x64xf32, #tpu.memory_space<hbm>>) dst(%arg9 : memref<200x64xf32, #tpu.memory_space<vmem>>)
      "tpu.region"() ({
        %run_scoped3A = tpu.sem_alloc : memref<!tpu.dma_semaphore, #tpu.memory_space<semaphore_mem>>
        %dma_start3A_73 = arith.constant 0 : i32
        %dma_start3A_74 = tpu.memref_slice %arg7[%add3A_60, %dma_start3A_73] : memref<50x200xi32, #tpu.memory_space<vmem>> -> memref<1x200xi32, #tpu.memory_space<vmem>>
        %dma_start3A_75 = tpu.memref_squeeze %dma_start3A_74 : memref<1x200xi32, #tpu.memory_space<vmem>> -> memref<200xi32, #tpu.memory_space<vmem>>
        %dma_start3A_76 = arith.constant 0 : i32
        %dma_start3A_77 = arith.constant 0 : i32
        %dma_start3A_78 = tpu.memref_slice %arg11[%dma_start3A_76, %dma_start3A_77] : memref<10112x64xf32, #tpu.memory_space<vmem_shared>> -> memref<10112x64xf32, #tpu.memory_space<vmem_shared>>
        tpu.enqueue_indirect_dma source(%arg9 : memref<200x64xf32, #tpu.memory_space<vmem>>) target(%dma_start3A_78 : memref<10112x64xf32, #tpu.memory_space<vmem_shared>>) offsets(%dma_start3A_75 : memref<200xi32, #tpu.memory_space<vmem>>) semaphore(%run_scoped3A : memref<!tpu.dma_semaphore, #tpu.memory_space<semaphore_mem>>) {add = true}
        %dma_wait3A_79 = arith.constant 0 : i32
        %dma_wait3A_80 = tpu.memref_slice %arg7[%add3A_60, %dma_wait3A_79] : memref<50x200xi32, #tpu.memory_space<vmem>> -> memref<1x200xi32, #tpu.memory_space<vmem>>
        %dma_wait3A_81 = tpu.memref_squeeze %dma_wait3A_80 : memref<1x200xi32, #tpu.memory_space<vmem>> -> memref<200xi32, #tpu.memory_space<vmem>>
        %dma_wait3A_82 = arith.constant 0 : i32
        %dma_wait3A_83 = arith.constant 0 : i32
        %dma_wait3A_84 = tpu.memref_slice %arg11[%dma_wait3A_82, %dma_wait3A_83] : memref<10112x64xf32, #tpu.memory_space<vmem_shared>> -> memref<10112x64xf32, #tpu.memory_space<vmem_shared>>
        tpu.wait_indirect_dma semaphore(%run_scoped3A : memref<!tpu.dma_semaphore, #tpu.memory_space<semaphore_mem>>) src(%arg9 : memref<200x64xf32, #tpu.memory_space<vmem>>) dst(%dma_wait3A_84 : memref<10112x64xf32, #tpu.memory_space<vmem_shared>>)
        tpu.yield
      }) : () -> ()
      %add3A_66 = arith.constant 2 : i32
      %add3A_67 = arith.addi %add3A_60, %add3A_66 : i32
      %lt3A_68 = arith.constant 50 : i32
      %lt3A_69 = arith.cmpi slt, %add3A_67, %lt3A_68 : i32
      %convert_element_type3A_70 = arith.extui %lt3A_69 : i1 to i32
      %cond3A_71 = arith.constant 0 : i32
      %cond3A_72 = arith.cmpi ne, %convert_element_type3A_70, %cond3A_71 : i32
      scf.if %cond3A_72 {
        %add3A_73 = arith.constant 2 : i32
        %add3A_74 = arith.addi %add3A_60, %add3A_73 : i32
        %mul3A_75 = arith.constant 200 : i32
        %mul3A_76 = arith.muli %add3A_74, %mul3A_75 : i32
        %dma_start3A_77 = tpu.memref_slice %arg6[%mul3A_76] : memref<10000xi32, #tpu.memory_space<vmem>> -> memref<200xi32, #tpu.memory_space<vmem>>
        %dma_start3A_78 = arith.constant 0 : i32
        %dma_start3A_79 = arith.constant 0 : i32
        %dma_start3A_80 = tpu.memref_slice %arg2[%dma_start3A_78, %dma_start3A_79] : memref<10000x64xf32, #tpu.memory_space<hbm>> -> memref<10000x64xf32, #tpu.memory_space<hbm>>
        tpu.enqueue_indirect_dma source(%dma_start3A_80 : memref<10000x64xf32, #tpu.memory_space<hbm>>) target(%arg9 : memref<200x64xf32, #tpu.memory_space<vmem>>) offsets(%dma_start3A_77 : memref<200xi32, #tpu.memory_space<vmem>>) semaphore(%arg13 : memref<!tpu.dma_semaphore, #tpu.memory_space<semaphore_mem>>)
      } else {
      }
    }
    %scan3A_26 = arith.constant 25 : i32
    %barrier3A_27 = arith.constant 0 : index
    tpu.barrier barrier_id(%barrier3A_27)
    %mul3A_28 = arith.constant 632 : i32
    %mul3A_29 = arith.muli %arg1, %mul3A_28 : i32
    %add3A_30 = arith.constant 0 : i32
    %add3A_31 = arith.addi %mul3A_29, %add3A_30 : i32
    "tpu.region"() ({
      %run_scoped3A = tpu.sem_alloc : memref<!tpu.dma_semaphore, #tpu.memory_space<semaphore_mem>>
      %dma_start3A_44 = arith.constant 0 : i32
      %dma_start3A_45 = tpu.memref_slice %arg11[%add3A_31, %dma_start3A_44] : memref<10112x64xf32, #tpu.memory_space<vmem_shared>> -> memref<316x64xf32, #tpu.memory_space<vmem_shared>>
      %dma_start3A_46 = arith.constant 0 : i32
      %dma_start3A_47 = tpu.memref_slice %arg11[%add3A_31, %dma_start3A_46] : memref<10112x64xf32, #tpu.memory_space<vmem_shared>> -> memref<316x64xf32, #tpu.memory_space<vmem_shared>>
      tpu.enqueue_dma source(%dma_start3A_47 : memref<316x64xf32, #tpu.memory_space<vmem_shared>>) target(%arg10 : memref<316x64xf32, #tpu.memory_space<vmem>>) target_semaphore(%run_scoped3A : memref<!tpu.dma_semaphore, #tpu.memory_space<semaphore_mem>>)
      %dma_wait3A = arith.constant 0 : i32
      %dma_wait3A_48 = tpu.memref_slice %arg11[%add3A_31, %dma_wait3A] : memref<10112x64xf32, #tpu.memory_space<vmem_shared>> -> memref<316x64xf32, #tpu.memory_space<vmem_shared>>
      %dma_wait3A_49 = arith.constant 0 : i32
      %dma_wait3A_50 = tpu.memref_slice %arg11[%add3A_31, %dma_wait3A_49] : memref<10112x64xf32, #tpu.memory_space<vmem_shared>> -> memref<316x64xf32, #tpu.memory_space<vmem_shared>>
      tpu.wait_dma2 semaphore(%run_scoped3A : memref<!tpu.dma_semaphore, #tpu.memory_space<semaphore_mem>>) src(%dma_wait3A_50 : memref<316x64xf32, #tpu.memory_space<vmem_shared>>) dst(%arg10 : memref<316x64xf32, #tpu.memory_space<vmem>>)
      tpu.yield
    }) : () -> ()
    %mul3A_32 = arith.constant 632 : i32
    %mul3A_33 = arith.muli %arg1, %mul3A_32 : i32
    %add3A_34 = arith.constant 0 : i32
    %add3A_35 = arith.addi %mul3A_33, %add3A_34 : i32
    "tpu.region"() ({
      %run_scoped3A = tpu.sem_alloc : memref<!tpu.dma_semaphore, #tpu.memory_space<semaphore_mem>>
      %dma_start3A_44 = arith.constant 0 : i32
      %dma_start3A_45 = tpu.memref_slice %arg5[%arg0, %add3A_35, %dma_start3A_44] : memref<2x10112x64xf32, #tpu.memory_space<hbm>> -> memref<1x316x64xf32, #tpu.memory_space<hbm>>
      %dma_start3A_46 = tpu.memref_squeeze %dma_start3A_45 : memref<1x316x64xf32, #tpu.memory_space<hbm>> -> memref<316x64xf32, #tpu.memory_space<hbm>>
      %dma_start3A_47 = arith.constant 0 : i32
      %dma_start3A_48 = tpu.memref_slice %arg5[%arg0, %add3A_35, %dma_start3A_47] : memref<2x10112x64xf32, #tpu.memory_space<hbm>> -> memref<1x316x64xf32, #tpu.memory_space<hbm>>
      %dma_start3A_49 = tpu.memref_squeeze %dma_start3A_48 : memref<1x316x64xf32, #tpu.memory_space<hbm>> -> memref<316x64xf32, #tpu.memory_space<hbm>>
      tpu.enqueue_dma source(%arg10 : memref<316x64xf32, #tpu.memory_space<vmem>>) target(%dma_start3A_49 : memref<316x64xf32, #tpu.memory_space<hbm>>) target_semaphore(%run_scoped3A : memref<!tpu.dma_semaphore, #tpu.memory_space<semaphore_mem>>)
      %dma_wait3A = arith.constant 0 : i32
      %dma_wait3A_50 = tpu.memref_slice %arg5[%arg0, %add3A_35, %dma_wait3A] : memref<2x10112x64xf32, #tpu.memory_space<hbm>> -> memref<1x316x64xf32, #tpu.memory_space<hbm>>
      %dma_wait3A_51 = tpu.memref_squeeze %dma_wait3A_50 : memref<1x316x64xf32, #tpu.memory_space<hbm>> -> memref<316x64xf32, #tpu.memory_space<hbm>>
      %dma_wait3A_52 = arith.constant 0 : i32
      %dma_wait3A_53 = tpu.memref_slice %arg5[%arg0, %add3A_35, %dma_wait3A_52] : memref<2x10112x64xf32, #tpu.memory_space<hbm>> -> memref<1x316x64xf32, #tpu.memory_space<hbm>>
      %dma_wait3A_54 = tpu.memref_squeeze %dma_wait3A_53 : memref<1x316x64xf32, #tpu.memory_space<hbm>> -> memref<316x64xf32, #tpu.memory_space<hbm>>
      tpu.wait_dma2 semaphore(%run_scoped3A : memref<!tpu.dma_semaphore, #tpu.memory_space<semaphore_mem>>) src(%arg10 : memref<316x64xf32, #tpu.memory_space<vmem>>) dst(%dma_wait3A_54 : memref<316x64xf32, #tpu.memory_space<hbm>>)
      tpu.yield
    }) : () -> ()
    %mul3A_36 = arith.constant 632 : i32
    %mul3A_37 = arith.muli %arg1, %mul3A_36 : i32
    %add3A_38 = arith.constant 316 : i32
    %add3A_39 = arith.addi %mul3A_37, %add3A_38 : i32
    "tpu.region"() ({
      %run_scoped3A = tpu.sem_alloc : memref<!tpu.dma_semaphore, #tpu.memory_space<semaphore_mem>>
      %dma_start3A_44 = arith.constant 0 : i32
      %dma_start3A_45 = tpu.memref_slice %arg11[%add3A_39, %dma_start3A_44] : memref<10112x64xf32, #tpu.memory_space<vmem_shared>> -> memref<316x64xf32, #tpu.memory_space<vmem_shared>>
      %dma_start3A_46 = arith.constant 0 : i32
      %dma_start3A_47 = tpu.memref_slice %arg11[%add3A_39, %dma_start3A_46] : memref<10112x64xf32, #tpu.memory_space<vmem_shared>> -> memref<316x64xf32, #tpu.memory_space<vmem_shared>>
      tpu.enqueue_dma source(%dma_start3A_47 : memref<316x64xf32, #tpu.memory_space<vmem_shared>>) target(%arg10 : memref<316x64xf32, #tpu.memory_space<vmem>>) target_semaphore(%run_scoped3A : memref<!tpu.dma_semaphore, #tpu.memory_space<semaphore_mem>>)
      %dma_wait3A = arith.constant 0 : i32
      %dma_wait3A_48 = tpu.memref_slice %arg11[%add3A_39, %dma_wait3A] : memref<10112x64xf32, #tpu.memory_space<vmem_shared>> -> memref<316x64xf32, #tpu.memory_space<vmem_shared>>
      %dma_wait3A_49 = arith.constant 0 : i32
      %dma_wait3A_50 = tpu.memref_slice %arg11[%add3A_39, %dma_wait3A_49] : memref<10112x64xf32, #tpu.memory_space<vmem_shared>> -> memref<316x64xf32, #tpu.memory_space<vmem_shared>>
      tpu.wait_dma2 semaphore(%run_scoped3A : memref<!tpu.dma_semaphore, #tpu.memory_space<semaphore_mem>>) src(%dma_wait3A_50 : memref<316x64xf32, #tpu.memory_space<vmem_shared>>) dst(%arg10 : memref<316x64xf32, #tpu.memory_space<vmem>>)
      tpu.yield
    }) : () -> ()
    %mul3A_40 = arith.constant 632 : i32
    %mul3A_41 = arith.muli %arg1, %mul3A_40 : i32
    %add3A_42 = arith.constant 316 : i32
    %add3A_43 = arith.addi %mul3A_41, %add3A_42 : i32
    "tpu.region"() ({
      %run_scoped3A = tpu.sem_alloc : memref<!tpu.dma_semaphore, #tpu.memory_space<semaphore_mem>>
      %dma_start3A_44 = arith.constant 0 : i32
      %dma_start3A_45 = tpu.memref_slice %arg5[%arg0, %add3A_43, %dma_start3A_44] : memref<2x10112x64xf32, #tpu.memory_space<hbm>> -> memref<1x316x64xf32, #tpu.memory_space<hbm>>
      %dma_start3A_46 = tpu.memref_squeeze %dma_start3A_45 : memref<1x316x64xf32, #tpu.memory_space<hbm>> -> memref<316x64xf32, #tpu.memory_space<hbm>>
      %dma_start3A_47 = arith.constant 0 : i32
      %dma_start3A_48 = tpu.memref_slice %arg5[%arg0, %add3A_43, %dma_start3A_47] : memref<2x10112x64xf32, #tpu.memory_space<hbm>> -> memref<1x316x64xf32, #tpu.memory_space<hbm>>
      %dma_start3A_49 = tpu.memref_squeeze %dma_start3A_48 : memref<1x316x64xf32, #tpu.memory_space<hbm>> -> memref<316x64xf32, #tpu.memory_space<hbm>>
      tpu.enqueue_dma source(%arg10 : memref<316x64xf32, #tpu.memory_space<vmem>>) target(%dma_start3A_49 : memref<316x64xf32, #tpu.memory_space<hbm>>) target_semaphore(%run_scoped3A : memref<!tpu.dma_semaphore, #tpu.memory_space<semaphore_mem>>)
      %dma_wait3A = arith.constant 0 : i32
      %dma_wait3A_50 = tpu.memref_slice %arg5[%arg0, %add3A_43, %dma_wait3A] : memref<2x10112x64xf32, #tpu.memory_space<hbm>> -> memref<1x316x64xf32, #tpu.memory_space<hbm>>
      %dma_wait3A_51 = tpu.memref_squeeze %dma_wait3A_50 : memref<1x316x64xf32, #tpu.memory_space<hbm>> -> memref<316x64xf32, #tpu.memory_space<hbm>>
      %dma_wait3A_52 = arith.constant 0 : i32
      %dma_wait3A_53 = tpu.memref_slice %arg5[%arg0, %add3A_43, %dma_wait3A_52] : memref<2x10112x64xf32, #tpu.memory_space<hbm>> -> memref<1x316x64xf32, #tpu.memory_space<hbm>>
      %dma_wait3A_54 = tpu.memref_squeeze %dma_wait3A_53 : memref<1x316x64xf32, #tpu.memory_space<hbm>> -> memref<316x64xf32, #tpu.memory_space<hbm>>
      tpu.wait_dma2 semaphore(%run_scoped3A : memref<!tpu.dma_semaphore, #tpu.memory_space<semaphore_mem>>) src(%arg10 : memref<316x64xf32, #tpu.memory_space<vmem>>) dst(%dma_wait3A_54 : memref<316x64xf32, #tpu.memory_space<hbm>>)
      tpu.yield
    }) : () -> ()
    return
  }
}

#map = affine_map<(d0, d1) -> (0, 0)>
#map1 = affine_map<(d0, d1) -> (0)>
#map2 = affine_map<(d0, d1) -> (0, 0, 0)>
module attributes {stable_mosaic.version = 14 : i64} {
  func.func @agg_kernel(%arg0: i32, %arg1: i32, %arg2: memref<10000x64xf32, #tpu.memory_space<hbm>>, %arg3: memref<320000xi32, #tpu.memory_space<hbm>>, %arg4: memref<32x50x200xi32, #tpu.memory_space<hbm>>, %arg5: memref<2x10112x64xf32, #tpu.memory_space<hbm>>, %arg6: memref<10000xi32, #tpu.memory_space<vmem>>, %arg7: memref<50x200xi32, #tpu.memory_space<vmem>>, %arg8: memref<200x64xf32, #tpu.memory_space<vmem>>, %arg9: memref<200x64xf32, #tpu.memory_space<vmem>>, %arg10: memref<316x64xf32, #tpu.memory_space<vmem>>, %arg11: memref<10112x64xf32, #tpu.memory_space<vmem_shared>>, %arg12: memref<!tpu.dma_semaphore, #tpu.memory_space<semaphore_mem>>, %arg13: memref<!tpu.dma_semaphore, #tpu.memory_space<semaphore_mem>>) attributes {dimension_semantics = [#tpu.dimension_semantics<core_parallel>, #tpu.dimension_semantics<subcore_parallel>], iteration_bounds = array<i64: 2, 16>, scalar_prefetch = 0 : i64, scratch_operands = 8 : i64, tpu.core_type = #tpu.core_type<sc_vector_subcore>, window_params = [{transform_indices = #map}, {transform_indices = #map1}, {transform_indices = #map2}, {transform_indices = #map2}]} {
    %mul3A = arith.constant 16 : i32
    %mul3A_0 = arith.muli %arg0, %mul3A : i32
    %add3A = arith.addi %mul3A_0, %arg1 : i32
    %mul3A_1 = arith.constant 10000 : i32
    %mul3A_2 = arith.muli %add3A, %mul3A_1 : i32
    "tpu.region"() ({
      %run_scoped3A = tpu.sem_alloc : memref<!tpu.dma_semaphore, #tpu.memory_space<semaphore_mem>>
      %dma_start3A_44 = tpu.memref_slice %arg3[%mul3A_2] : memref<320000xi32, #tpu.memory_space<hbm>> -> memref<10000xi32, #tpu.memory_space<hbm>>
      %dma_start3A_45 = tpu.memref_slice %arg3[%mul3A_2] : memref<320000xi32, #tpu.memory_space<hbm>> -> memref<10000xi32, #tpu.memory_space<hbm>>
      tpu.enqueue_dma source(%dma_start3A_45 : memref<10000xi32, #tpu.memory_space<hbm>>) target(%arg6 : memref<10000xi32, #tpu.memory_space<vmem>>) target_semaphore(%run_scoped3A : memref<!tpu.dma_semaphore, #tpu.memory_space<semaphore_mem>>)
      %dma_wait3A = tpu.memref_slice %arg3[%mul3A_2] : memref<320000xi32, #tpu.memory_space<hbm>> -> memref<10000xi32, #tpu.memory_space<hbm>>
      %dma_wait3A_46 = tpu.memref_slice %arg3[%mul3A_2] : memref<320000xi32, #tpu.memory_space<hbm>> -> memref<10000xi32, #tpu.memory_space<hbm>>
      tpu.wait_dma2 semaphore(%run_scoped3A : memref<!tpu.dma_semaphore, #tpu.memory_space<semaphore_mem>>) src(%dma_wait3A_46 : memref<10000xi32, #tpu.memory_space<hbm>>) dst(%arg6 : memref<10000xi32, #tpu.memory_space<vmem>>)
      tpu.yield
    }) : () -> ()
    "tpu.region"() ({
      %run_scoped3A = tpu.sem_alloc : memref<!tpu.dma_semaphore, #tpu.memory_space<semaphore_mem>>
      %dma_start3A_44 = arith.constant 0 : i32
      %dma_start3A_45 = arith.constant 0 : i32
      %dma_start3A_46 = tpu.memref_slice %arg4[%add3A, %dma_start3A_44, %dma_start3A_45] : memref<32x50x200xi32, #tpu.memory_space<hbm>> -> memref<1x50x200xi32, #tpu.memory_space<hbm>>
      %dma_start3A_47 = tpu.memref_squeeze %dma_start3A_46 : memref<1x50x200xi32, #tpu.memory_space<hbm>> -> memref<50x200xi32, #tpu.memory_space<hbm>>
      %dma_start3A_48 = arith.constant 0 : i32
      %dma_start3A_49 = arith.constant 0 : i32
      %dma_start3A_50 = tpu.memref_slice %arg4[%add3A, %dma_start3A_48, %dma_start3A_49] : memref<32x50x200xi32, #tpu.memory_space<hbm>> -> memref<1x50x200xi32, #tpu.memory_space<hbm>>
      %dma_start3A_51 = tpu.memref_squeeze %dma_start3A_50 : memref<1x50x200xi32, #tpu.memory_space<hbm>> -> memref<50x200xi32, #tpu.memory_space<hbm>>
      tpu.enqueue_dma source(%dma_start3A_51 : memref<50x200xi32, #tpu.memory_space<hbm>>) target(%arg7 : memref<50x200xi32, #tpu.memory_space<vmem>>) target_semaphore(%run_scoped3A : memref<!tpu.dma_semaphore, #tpu.memory_space<semaphore_mem>>)
      %dma_wait3A = arith.constant 0 : i32
      %dma_wait3A_52 = arith.constant 0 : i32
      %dma_wait3A_53 = tpu.memref_slice %arg4[%add3A, %dma_wait3A, %dma_wait3A_52] : memref<32x50x200xi32, #tpu.memory_space<hbm>> -> memref<1x50x200xi32, #tpu.memory_space<hbm>>
      %dma_wait3A_54 = tpu.memref_squeeze %dma_wait3A_53 : memref<1x50x200xi32, #tpu.memory_space<hbm>> -> memref<50x200xi32, #tpu.memory_space<hbm>>
      %dma_wait3A_55 = arith.constant 0 : i32
      %dma_wait3A_56 = arith.constant 0 : i32
      %dma_wait3A_57 = tpu.memref_slice %arg4[%add3A, %dma_wait3A_55, %dma_wait3A_56] : memref<32x50x200xi32, #tpu.memory_space<hbm>> -> memref<1x50x200xi32, #tpu.memory_space<hbm>>
      %dma_wait3A_58 = tpu.memref_squeeze %dma_wait3A_57 : memref<1x50x200xi32, #tpu.memory_space<hbm>> -> memref<50x200xi32, #tpu.memory_space<hbm>>
      tpu.wait_dma2 semaphore(%run_scoped3A : memref<!tpu.dma_semaphore, #tpu.memory_space<semaphore_mem>>) src(%dma_wait3A_58 : memref<50x200xi32, #tpu.memory_space<hbm>>) dst(%arg7 : memref<50x200xi32, #tpu.memory_space<vmem>>)
      tpu.yield
    }) : () -> ()
    %scan3A = arith.constant 0 : i32
    %scan3A_3 = arith.constant 316 : i32
    %scan3A_4 = arith.addi %scan3A, %scan3A_3 : i32
    %scan3A_5 = arith.constant 1 : i32
    scf.for %scan3A_44 = %scan3A to %scan3A_4 step %scan3A_5  : i32 {
      %mul3A_45 = arith.constant 1 : i32
      %mul3A_46 = arith.muli %scan3A_44, %mul3A_45 : i32
      %add3A_47 = arith.constant 0 : i32
      %add3A_48 = arith.addi %add3A_47, %mul3A_46 : i32
      %scan3A_49 = arith.constant 0 : i32
      %scan3A_50 = arith.constant 4 : i32
      %scan3A_51 = arith.addi %scan3A_49, %scan3A_50 : i32
      %scan3A_52 = arith.constant 1 : i32
      scf.for %scan3A_54 = %scan3A_49 to %scan3A_51 step %scan3A_52  : i32 {
        %mul3A_55 = arith.constant 16 : i32
        %mul3A_56 = arith.muli %scan3A_54, %mul3A_55 : i32
        %add3A_57 = arith.constant 0 : i32
        %add3A_58 = arith.addi %add3A_57, %mul3A_56 : i32
        %broadcast_in_dim3A = arith.constant 0.000000e+00 : f32
        %broadcast_in_dim3A_59 = vector.broadcast %broadcast_in_dim3A : f32 to vector<16xf32>
        %swap3A = arith.index_cast %add3A_48 : i32 to index
        %swap3A_60 = arith.index_cast %add3A_58 : i32 to index
        %swap3A_61 = tpu.vector_load %arg10[%swap3A, %swap3A_60] {strides = array<i32>} : memref<316x64xf32, #tpu.memory_space<vmem>>, vector<1x16xf32>,
        %swap3A_62 = vector.shape_cast %swap3A_61 : vector<1x16xf32> to vector<16xf32>
        %swap3A_63 = vector.shape_cast %broadcast_in_dim3A_59 : vector<16xf32> to vector<1x16xf32>
        tpu.vector_store %arg10[%swap3A, %swap3A_60], %swap3A_63 {strides = array<i32>} : memref<316x64xf32, #tpu.memory_space<vmem>>, vector<1x16xf32>,
      }
      %scan3A_53 = arith.constant 4 : i32
    }
    %scan3A_6 = arith.constant 316 : i32
    %mul3A_7 = arith.constant 632 : i32
    %mul3A_8 = arith.muli %arg1, %mul3A_7 : i32
    "tpu.region"() ({
      %run_scoped3A = tpu.sem_alloc : memref<!tpu.dma_semaphore, #tpu.memory_space<semaphore_mem>>
      %dma_start3A_44 = arith.constant 0 : i32
      %dma_start3A_45 = tpu.memref_slice %arg11[%mul3A_8, %dma_start3A_44] : memref<10112x64xf32, #tpu.memory_space<vmem_shared>> -> memref<316x64xf32, #tpu.memory_space<vmem_shared>>
      %dma_start3A_46 = arith.constant 0 : i32
      %dma_start3A_47 = tpu.memref_slice %arg11[%mul3A_8, %dma_start3A_46] : memref<10112x64xf32, #tpu.memory_space<vmem_shared>> -> memref<316x64xf32, #tpu.memory_space<vmem_shared>>
      tpu.enqueue_dma source(%arg10 : memref<316x64xf32, #tpu.memory_space<vmem>>) target(%dma_start3A_47 : memref<316x64xf32, #tpu.memory_space<vmem_shared>>) target_semaphore(%run_scoped3A : memref<!tpu.dma_semaphore, #tpu.memory_space<semaphore_mem>>)
      %dma_wait3A = arith.constant 0 : i32
      %dma_wait3A_48 = tpu.memref_slice %arg11[%mul3A_8, %dma_wait3A] : memref<10112x64xf32, #tpu.memory_space<vmem_shared>> -> memref<316x64xf32, #tpu.memory_space<vmem_shared>>
      %dma_wait3A_49 = arith.constant 0 : i32
      %dma_wait3A_50 = tpu.memref_slice %arg11[%mul3A_8, %dma_wait3A_49] : memref<10112x64xf32, #tpu.memory_space<vmem_shared>> -> memref<316x64xf32, #tpu.memory_space<vmem_shared>>
      tpu.wait_dma2 semaphore(%run_scoped3A : memref<!tpu.dma_semaphore, #tpu.memory_space<semaphore_mem>>) src(%arg10 : memref<316x64xf32, #tpu.memory_space<vmem>>) dst(%dma_wait3A_50 : memref<316x64xf32, #tpu.memory_space<vmem_shared>>)
      tpu.yield
    }) : () -> ()
    %mul3A_9 = arith.constant 632 : i32
    %mul3A_10 = arith.muli %arg1, %mul3A_9 : i32
    %add3A_11 = arith.constant 316 : i32
    %add3A_12 = arith.addi %mul3A_10, %add3A_11 : i32
    "tpu.region"() ({
      %run_scoped3A = tpu.sem_alloc : memref<!tpu.dma_semaphore, #tpu.memory_space<semaphore_mem>>
      %dma_start3A_44 = arith.constant 0 : i32
      %dma_start3A_45 = tpu.memref_slice %arg11[%add3A_12, %dma_start3A_44] : memref<10112x64xf32, #tpu.memory_space<vmem_shared>> -> memref<316x64xf32, #tpu.memory_space<vmem_shared>>
      %dma_start3A_46 = arith.constant 0 : i32
      %dma_start3A_47 = tpu.memref_slice %arg11[%add3A_12, %dma_start3A_46] : memref<10112x64xf32, #tpu.memory_space<vmem_shared>> -> memref<316x64xf32, #tpu.memory_space<vmem_shared>>
      tpu.enqueue_dma source(%arg10 : memref<316x64xf32, #tpu.memory_space<vmem>>) target(%dma_start3A_47 : memref<316x64xf32, #tpu.memory_space<vmem_shared>>) target_semaphore(%run_scoped3A : memref<!tpu.dma_semaphore, #tpu.memory_space<semaphore_mem>>)
      %dma_wait3A = arith.constant 0 : i32
      %dma_wait3A_48 = tpu.memref_slice %arg11[%add3A_12, %dma_wait3A] : memref<10112x64xf32, #tpu.memory_space<vmem_shared>> -> memref<316x64xf32, #tpu.memory_space<vmem_shared>>
      %dma_wait3A_49 = arith.constant 0 : i32
      %dma_wait3A_50 = tpu.memref_slice %arg11[%add3A_12, %dma_wait3A_49] : memref<10112x64xf32, #tpu.memory_space<vmem_shared>> -> memref<316x64xf32, #tpu.memory_space<vmem_shared>>
      tpu.wait_dma2 semaphore(%run_scoped3A : memref<!tpu.dma_semaphore, #tpu.memory_space<semaphore_mem>>) src(%arg10 : memref<316x64xf32, #tpu.memory_space<vmem>>) dst(%dma_wait3A_50 : memref<316x64xf32, #tpu.memory_space<vmem_shared>>)
      tpu.yield
    }) : () -> ()
    %barrier3A = arith.constant 0 : index
    tpu.barrier barrier_id(%barrier3A)
    %dma_start3A = arith.constant 0 : i32
    %dma_start3A_13 = tpu.memref_slice %arg6[%dma_start3A] : memref<10000xi32, #tpu.memory_space<vmem>> -> memref<200xi32, #tpu.memory_space<vmem>>
    %dma_start3A_14 = arith.constant 0 : i32
    %dma_start3A_15 = arith.constant 0 : i32
    %dma_start3A_16 = tpu.memref_slice %arg2[%dma_start3A_14, %dma_start3A_15] : memref<10000x64xf32, #tpu.memory_space<hbm>> -> memref<10000x64xf32, #tpu.memory_space<hbm>>
    tpu.enqueue_indirect_dma source(%dma_start3A_16 : memref<10000x64xf32, #tpu.memory_space<hbm>>) target(%arg8 : memref<200x64xf32, #tpu.memory_space<vmem>>) offsets(%dma_start3A_13 : memref<200xi32, #tpu.memory_space<vmem>>) semaphore(%arg12 : memref<!tpu.dma_semaphore, #tpu.memory_space<semaphore_mem>>)
    %dma_start3A_17 = arith.constant 200 : i32
    %dma_start3A_18 = tpu.memref_slice %arg6[%dma_start3A_17] : memref<10000xi32, #tpu.memory_space<vmem>> -> memref<200xi32, #tpu.memory_space<vmem>>
    %dma_start3A_19 = arith.constant 0 : i32
    %dma_start3A_20 = arith.constant 0 : i32
    %dma_start3A_21 = tpu.memref_slice %arg2[%dma_start3A_19, %dma_start3A_20] : memref<10000x64xf32, #tpu.memory_space<hbm>> -> memref<10000x64xf32, #tpu.memory_space<hbm>>
    tpu.enqueue_indirect_dma source(%dma_start3A_21 : memref<10000x64xf32, #tpu.memory_space<hbm>>) target(%arg9 : memref<200x64xf32, #tpu.memory_space<vmem>>) offsets(%dma_start3A_18 : memref<200xi32, #tpu.memory_space<vmem>>) semaphore(%arg13 : memref<!tpu.dma_semaphore, #tpu.memory_space<semaphore_mem>>)
    %scan3A_22 = arith.constant 0 : i32
    %scan3A_23 = arith.constant 25 : i32
    %scan3A_24 = arith.addi %scan3A_22, %scan3A_23 : i32
    %scan3A_25 = arith.constant 1 : i32
    scf.for %scan3A_44 = %scan3A_22 to %scan3A_24 step %scan3A_25  : i32 {
      %mul3A_45 = arith.constant 2 : i32
      %mul3A_46 = arith.muli %scan3A_44, %mul3A_45 : i32
      %add3A_47 = arith.constant 0 : i32
      %add3A_48 = arith.addi %add3A_47, %mul3A_46 : i32
      %add3A_49 = arith.constant 0 : i32
      %add3A_50 = arith.addi %add3A_48, %add3A_49 : i32
      %dma_wait3A = arith.constant 0 : i32
      %dma_wait3A_51 = tpu.memref_slice %arg6[%dma_wait3A] : memref<10000xi32, #tpu.memory_space<vmem>> -> memref<200xi32, #tpu.memory_space<vmem>>
      %dma_wait3A_52 = arith.constant 0 : i32
      %dma_wait3A_53 = arith.constant 0 : i32
      %dma_wait3A_54 = tpu.memref_slice %arg2[%dma_wait3A_52, %dma_wait3A_53] : memref<10000x64xf32, #tpu.memory_space<hbm>> -> memref<10000x64xf32, #tpu.memory_space<hbm>>
      tpu.wait_indirect_dma semaphore(%arg12 : memref<!tpu.dma_semaphore, #tpu.memory_space<semaphore_mem>>) src(%dma_wait3A_54 : memref<10000x64xf32, #tpu.memory_space<hbm>>) dst(%arg8 : memref<200x64xf32, #tpu.memory_space<vmem>>)
      "tpu.region"() ({
        %run_scoped3A = tpu.sem_alloc : memref<!tpu.dma_semaphore, #tpu.memory_space<semaphore_mem>>
        %dma_start3A_73 = arith.constant 0 : i32
        %dma_start3A_74 = tpu.memref_slice %arg7[%add3A_50, %dma_start3A_73] : memref<50x200xi32, #tpu.memory_space<vmem>> -> memref<1x200xi32, #tpu.memory_space<vmem>>
        %dma_start3A_75 = tpu.memref_squeeze %dma_start3A_74 : memref<1x200xi32, #tpu.memory_space<vmem>> -> memref<200xi32, #tpu.memory_space<vmem>>
        %dma_start3A_76 = arith.constant 0 : i32
        %dma_start3A_77 = arith.constant 0 : i32
        %dma_start3A_78 = tpu.memref_slice %arg11[%dma_start3A_76, %dma_start3A_77] : memref<10112x64xf32, #tpu.memory_space<vmem_shared>> -> memref<10112x64xf32, #tpu.memory_space<vmem_shared>>
        tpu.enqueue_indirect_dma source(%arg8 : memref<200x64xf32, #tpu.memory_space<vmem>>) target(%dma_start3A_78 : memref<10112x64xf32, #tpu.memory_space<vmem_shared>>) offsets(%dma_start3A_75 : memref<200xi32, #tpu.memory_space<vmem>>) semaphore(%run_scoped3A : memref<!tpu.dma_semaphore, #tpu.memory_space<semaphore_mem>>) {add = true}
        %dma_wait3A_79 = arith.constant 0 : i32
        %dma_wait3A_80 = tpu.memref_slice %arg7[%add3A_50, %dma_wait3A_79] : memref<50x200xi32, #tpu.memory_space<vmem>> -> memref<1x200xi32, #tpu.memory_space<vmem>>
        %dma_wait3A_81 = tpu.memref_squeeze %dma_wait3A_80 : memref<1x200xi32, #tpu.memory_space<vmem>> -> memref<200xi32, #tpu.memory_space<vmem>>
        %dma_wait3A_82 = arith.constant 0 : i32
        %dma_wait3A_83 = arith.constant 0 : i32
        %dma_wait3A_84 = tpu.memref_slice %arg11[%dma_wait3A_82, %dma_wait3A_83] : memref<10112x64xf32, #tpu.memory_space<vmem_shared>> -> memref<10112x64xf32, #tpu.memory_space<vmem_shared>>
        tpu.wait_indirect_dma semaphore(%run_scoped3A : memref<!tpu.dma_semaphore, #tpu.memory_space<semaphore_mem>>) src(%arg8 : memref<200x64xf32, #tpu.memory_space<vmem>>) dst(%dma_wait3A_84 : memref<10112x64xf32, #tpu.memory_space<vmem_shared>>)
        tpu.yield
      }) : () -> ()
      %add3A_55 = arith.constant 2 : i32
      %add3A_56 = arith.addi %add3A_50, %add3A_55 : i32
      %lt3A = arith.constant 50 : i32
      %lt3A_57 = arith.cmpi slt, %add3A_56, %lt3A : i32
      %convert_element_type3A = arith.extui %lt3A_57 : i1 to i32
      %cond3A = arith.constant 0 : i32
      %cond3A_58 = arith.cmpi ne, %convert_element_type3A, %cond3A : i32
      scf.if %cond3A_58 {
        %add3A_73 = arith.constant 2 : i32
        %add3A_74 = arith.addi %add3A_50, %add3A_73 : i32
        %mul3A_75 = arith.constant 200 : i32
        %mul3A_76 = arith.muli %add3A_74, %mul3A_75 : i32
        %dma_start3A_77 = tpu.memref_slice %arg6[%mul3A_76] : memref<10000xi32, #tpu.memory_space<vmem>> -> memref<200xi32, #tpu.memory_space<vmem>>
        %dma_start3A_78 = arith.constant 0 : i32
        %dma_start3A_79 = arith.constant 0 : i32
        %dma_start3A_80 = tpu.memref_slice %arg2[%dma_start3A_78, %dma_start3A_79] : memref<10000x64xf32, #tpu.memory_space<hbm>> -> memref<10000x64xf32, #tpu.memory_space<hbm>>
        tpu.enqueue_indirect_dma source(%dma_start3A_80 : memref<10000x64xf32, #tpu.memory_space<hbm>>) target(%arg8 : memref<200x64xf32, #tpu.memory_space<vmem>>) offsets(%dma_start3A_77 : memref<200xi32, #tpu.memory_space<vmem>>) semaphore(%arg12 : memref<!tpu.dma_semaphore, #tpu.memory_space<semaphore_mem>>)
      } else {
      }
      %add3A_59 = arith.constant 1 : i32
      %add3A_60 = arith.addi %add3A_48, %add3A_59 : i32
      %dma_wait3A_61 = arith.constant 0 : i32
      %dma_wait3A_62 = tpu.memref_slice %arg6[%dma_wait3A_61] : memref<10000xi32, #tpu.memory_space<vmem>> -> memref<200xi32, #tpu.memory_space<vmem>>
      %dma_wait3A_63 = arith.constant 0 : i32
      %dma_wait3A_64 = arith.constant 0 : i32
      %dma_wait3A_65 = tpu.memref_slice %arg2[%dma_wait3A_63, %dma_wait3A_64] : memref<10000x64xf32, #tpu.memory_space<hbm>> -> memref<10000x64xf32, #tpu.memory_space<hbm>>
      tpu.wait_indirect_dma semaphore(%arg13 : memref<!tpu.dma_semaphore, #tpu.memory_space<semaphore_mem>>) src(%dma_wait3A_65 : memref<10000x64xf32, #tpu.memory_space<hbm>>) dst(%arg9 : memref<200x64xf32, #tpu.memory_space<vmem>>)
      "tpu.region"() ({
        %run_scoped3A = tpu.sem_alloc : memref<!tpu.dma_semaphore, #tpu.memory_space<semaphore_mem>>
        %dma_start3A_73 = arith.constant 0 : i32
        %dma_start3A_74 = tpu.memref_slice %arg7[%add3A_60, %dma_start3A_73] : memref<50x200xi32, #tpu.memory_space<vmem>> -> memref<1x200xi32, #tpu.memory_space<vmem>>
        %dma_start3A_75 = tpu.memref_squeeze %dma_start3A_74 : memref<1x200xi32, #tpu.memory_space<vmem>> -> memref<200xi32, #tpu.memory_space<vmem>>
        %dma_start3A_76 = arith.constant 0 : i32
        %dma_start3A_77 = arith.constant 0 : i32
        %dma_start3A_78 = tpu.memref_slice %arg11[%dma_start3A_76, %dma_start3A_77] : memref<10112x64xf32, #tpu.memory_space<vmem_shared>> -> memref<10112x64xf32, #tpu.memory_space<vmem_shared>>
        tpu.enqueue_indirect_dma source(%arg9 : memref<200x64xf32, #tpu.memory_space<vmem>>) target(%dma_start3A_78 : memref<10112x64xf32, #tpu.memory_space<vmem_shared>>) offsets(%dma_start3A_75 : memref<200xi32, #tpu.memory_space<vmem>>) semaphore(%run_scoped3A : memref<!tpu.dma_semaphore, #tpu.memory_space<semaphore_mem>>) {add = true}
        %dma_wait3A_79 = arith.constant 0 : i32
        %dma_wait3A_80 = tpu.memref_slice %arg7[%add3A_60, %dma_wait3A_79] : memref<50x200xi32, #tpu.memory_space<vmem>> -> memref<1x200xi32, #tpu.memory_space<vmem>>
        %dma_wait3A_81 = tpu.memref_squeeze %dma_wait3A_80 : memref<1x200xi32, #tpu.memory_space<vmem>> -> memref<200xi32, #tpu.memory_space<vmem>>
        %dma_wait3A_82 = arith.constant 0 : i32
        %dma_wait3A_83 = arith.constant 0 : i32
        %dma_wait3A_84 = tpu.memref_slice %arg11[%dma_wait3A_82, %dma_wait3A_83] : memref<10112x64xf32, #tpu.memory_space<vmem_shared>> -> memref<10112x64xf32, #tpu.memory_space<vmem_shared>>
        tpu.wait_indirect_dma semaphore(%run_scoped3A : memref<!tpu.dma_semaphore, #tpu.memory_space<semaphore_mem>>) src(%arg9 : memref<200x64xf32, #tpu.memory_space<vmem>>) dst(%dma_wait3A_84 : memref<10112x64xf32, #tpu.memory_space<vmem_shared>>)
        tpu.yield
      }) : () -> ()
      %add3A_66 = arith.constant 2 : i32
      %add3A_67 = arith.addi %add3A_60, %add3A_66 : i32
      %lt3A_68 = arith.constant 50 : i32
      %lt3A_69 = arith.cmpi slt, %add3A_67, %lt3A_68 : i32
      %convert_element_type3A_70 = arith.extui %lt3A_69 : i1 to i32
      %cond3A_71 = arith.constant 0 : i32
      %cond3A_72 = arith.cmpi ne, %convert_element_type3A_70, %cond3A_71 : i32
      scf.if %cond3A_72 {
        %add3A_73 = arith.constant 2 : i32
        %add3A_74 = arith.addi %add3A_60, %add3A_73 : i32
        %mul3A_75 = arith.constant 200 : i32
        %mul3A_76 = arith.muli %add3A_74, %mul3A_75 : i32
        %dma_start3A_77 = tpu.memref_slice %arg6[%mul3A_76] : memref<10000xi32, #tpu.memory_space<vmem>> -> memref<200xi32, #tpu.memory_space<vmem>>
        %dma_start3A_78 = arith.constant 0 : i32
        %dma_start3A_79 = arith.constant 0 : i32
        %dma_start3A_80 = tpu.memref_slice %arg2[%dma_start3A_78, %dma_start3A_79] : memref<10000x64xf32, #tpu.memory_space<hbm>> -> memref<10000x64xf32, #tpu.memory_space<hbm>>
        tpu.enqueue_indirect_dma source(%dma_start3A_80 : memref<10000x64xf32, #tpu.memory_space<hbm>>) target(%arg9 : memref<200x64xf32, #tpu.memory_space<vmem>>) offsets(%dma_start3A_77 : memref<200xi32, #tpu.memory_space<vmem>>) semaphore(%arg13 : memref<!tpu.dma_semaphore, #tpu.memory_space<semaphore_mem>>)
      } else {
      }
    }
    %scan3A_26 = arith.constant 25 : i32
    %barrier3A_27 = arith.constant 0 : index
    tpu.barrier barrier_id(%barrier3A_27)
    %mul3A_28 = arith.constant 632 : i32
    %mul3A_29 = arith.muli %arg1, %mul3A_28 : i32
    %add3A_30 = arith.constant 0 : i32
    %add3A_31 = arith.addi %mul3A_29, %add3A_30 : i32
    "tpu.region"() ({
      %run_scoped3A = tpu.sem_alloc : memref<!tpu.dma_semaphore, #tpu.memory_space<semaphore_mem>>
      %dma_start3A_44 = arith.constant 0 : i32
      %dma_start3A_45 = tpu.memref_slice %arg11[%add3A_31, %dma_start3A_44] : memref<10112x64xf32, #tpu.memory_space<vmem_shared>> -> memref<316x64xf32, #tpu.memory_space<vmem_shared>>
      %dma_start3A_46 = arith.constant 0 : i32
      %dma_start3A_47 = tpu.memref_slice %arg11[%add3A_31, %dma_start3A_46] : memref<10112x64xf32, #tpu.memory_space<vmem_shared>> -> memref<316x64xf32, #tpu.memory_space<vmem_shared>>
      tpu.enqueue_dma source(%dma_start3A_47 : memref<316x64xf32, #tpu.memory_space<vmem_shared>>) target(%arg10 : memref<316x64xf32, #tpu.memory_space<vmem>>) target_semaphore(%run_scoped3A : memref<!tpu.dma_semaphore, #tpu.memory_space<semaphore_mem>>)
      %dma_wait3A = arith.constant 0 : i32
      %dma_wait3A_48 = tpu.memref_slice %arg11[%add3A_31, %dma_wait3A] : memref<10112x64xf32, #tpu.memory_space<vmem_shared>> -> memref<316x64xf32, #tpu.memory_space<vmem_shared>>
      %dma_wait3A_49 = arith.constant 0 : i32
      %dma_wait3A_50 = tpu.memref_slice %arg11[%add3A_31, %dma_wait3A_49] : memref<10112x64xf32, #tpu.memory_space<vmem_shared>> -> memref<316x64xf32, #tpu.memory_space<vmem_shared>>
      tpu.wait_dma2 semaphore(%run_scoped3A : memref<!tpu.dma_semaphore, #tpu.memory_space<semaphore_mem>>) src(%dma_wait3A_50 : memref<316x64xf32, #tpu.memory_space<vmem_shared>>) dst(%arg10 : memref<316x64xf32, #tpu.memory_space<vmem>>)
      tpu.yield
    }) : () -> ()
    %mul3A_32 = arith.constant 632 : i32
    %mul3A_33 = arith.muli %arg1, %mul3A_32 : i32
    %add3A_34 = arith.constant 0 : i32
    %add3A_35 = arith.addi %mul3A_33, %add3A_34 : i32
    "tpu.region"() ({
      %run_scoped3A = tpu.sem_alloc : memref<!tpu.dma_semaphore, #tpu.memory_space<semaphore_mem>>
      %dma_start3A_44 = arith.constant 0 : i32
      %dma_start3A_45 = tpu.memref_slice %arg5[%arg0, %add3A_35, %dma_start3A_44] : memref<2x10112x64xf32, #tpu.memory_space<hbm>> -> memref<1x316x64xf32, #tpu.memory_space<hbm>>
      %dma_start3A_46 = tpu.memref_squeeze %dma_start3A_45 : memref<1x316x64xf32, #tpu.memory_space<hbm>> -> memref<316x64xf32, #tpu.memory_space<hbm>>
      %dma_start3A_47 = arith.constant 0 : i32
      %dma_start3A_48 = tpu.memref_slice %arg5[%arg0, %add3A_35, %dma_start3A_47] : memref<2x10112x64xf32, #tpu.memory_space<hbm>> -> memref<1x316x64xf32, #tpu.memory_space<hbm>>
      %dma_start3A_49 = tpu.memref_squeeze %dma_start3A_48 : memref<1x316x64xf32, #tpu.memory_space<hbm>> -> memref<316x64xf32, #tpu.memory_space<hbm>>
      tpu.enqueue_dma source(%arg10 : memref<316x64xf32, #tpu.memory_space<vmem>>) target(%dma_start3A_49 : memref<316x64xf32, #tpu.memory_space<hbm>>) target_semaphore(%run_scoped3A : memref<!tpu.dma_semaphore, #tpu.memory_space<semaphore_mem>>)
      %dma_wait3A = arith.constant 0 : i32
      %dma_wait3A_50 = tpu.memref_slice %arg5[%arg0, %add3A_35, %dma_wait3A] : memref<2x10112x64xf32, #tpu.memory_space<hbm>> -> memref<1x316x64xf32, #tpu.memory_space<hbm>>
      %dma_wait3A_51 = tpu.memref_squeeze %dma_wait3A_50 : memref<1x316x64xf32, #tpu.memory_space<hbm>> -> memref<316x64xf32, #tpu.memory_space<hbm>>
      %dma_wait3A_52 = arith.constant 0 : i32
      %dma_wait3A_53 = tpu.memref_slice %arg5[%arg0, %add3A_35, %dma_wait3A_52] : memref<2x10112x64xf32, #tpu.memory_space<hbm>> -> memref<1x316x64xf32, #tpu.memory_space<hbm>>
      %dma_wait3A_54 = tpu.memref_squeeze %dma_wait3A_53 : memref<1x316x64xf32, #tpu.memory_space<hbm>> -> memref<316x64xf32, #tpu.memory_space<hbm>>
      tpu.wait_dma2 semaphore(%run_scoped3A : memref<!tpu.dma_semaphore, #tpu.memory_space<semaphore_mem>>) src(%arg10 : memref<316x64xf32, #tpu.memory_space<vmem>>) dst(%dma_wait3A_54 : memref<316x64xf32, #tpu.memory_space<hbm>>)
      tpu.yield
    }) : () -> ()
    %mul3A_36 = arith.constant 632 : i32
    %mul3A_37 = arith.muli %arg1, %mul3A_36 : i32
    %add3A_38 = arith.constant 316 : i32
    %add3A_39 = arith.addi %mul3A_37, %add3A_38 : i32
    "tpu.region"() ({
      %run_scoped3A = tpu.sem_alloc : memref<!tpu.dma_semaphore, #tpu.memory_space<semaphore_mem>>
      %dma_start3A_44 = arith.constant 0 : i32
      %dma_start3A_45 = tpu.memref_slice %arg11[%add3A_39, %dma_start3A_44] : memref<10112x64xf32, #tpu.memory_space<vmem_shared>> -> memref<316x64xf32, #tpu.memory_space<vmem_shared>>
      %dma_start3A_46 = arith.constant 0 : i32
      %dma_start3A_47 = tpu.memref_slice %arg11[%add3A_39, %dma_start3A_46] : memref<10112x64xf32, #tpu.memory_space<vmem_shared>> -> memref<316x64xf32, #tpu.memory_space<vmem_shared>>
      tpu.enqueue_dma source(%dma_start3A_47 : memref<316x64xf32, #tpu.memory_space<vmem_shared>>) target(%arg10 : memref<316x64xf32, #tpu.memory_space<vmem>>) target_semaphore(%run_scoped3A : memref<!tpu.dma_semaphore, #tpu.memory_space<semaphore_mem>>)
      %dma_wait3A = arith.constant 0 : i32
      %dma_wait3A_48 = tpu.memref_slice %arg11[%add3A_39, %dma_wait3A] : memref<10112x64xf32, #tpu.memory_space<vmem_shared>> -> memref<316x64xf32, #tpu.memory_space<vmem_shared>>
      %dma_wait3A_49 = arith.constant 0 : i32
      %dma_wait3A_50 = tpu.memref_slice %arg11[%add3A_39, %dma_wait3A_49] : memref<10112x64xf32, #tpu.memory_space<vmem_shared>> -> memref<316x64xf32, #tpu.memory_space<vmem_shared>>
      tpu.wait_dma2 semaphore(%run_scoped3A : memref<!tpu.dma_semaphore, #tpu.memory_space<semaphore_mem>>) src(%dma_wait3A_50 : memref<316x64xf32, #tpu.memory_space<vmem_shared>>) dst(%arg10 : memref<316x64xf32, #tpu.memory_space<vmem>>)
      tpu.yield
    }) : () -> ()
    %mul3A_40 = arith.constant 632 : i32
    %mul3A_41 = arith.muli %arg1, %mul3A_40 : i32
    %add3A_42 = arith.constant 316 : i32
    %add3A_43 = arith.addi %mul3A_41, %add3A_42 : i32
    "tpu.region"() ({
      %run_scoped3A = tpu.sem_alloc : memref<!tpu.dma_semaphore, #tpu.memory_space<semaphore_mem>>
      %dma_start3A_44 = arith.constant 0 : i32
      %dma_start3A_45 = tpu.memref_slice %arg5[%arg0, %add3A_43, %dma_start3A_44] : memref<2x10112x64xf32, #tpu.memory_space<hbm>> -> memref<1x316x64xf32, #tpu.memory_space<hbm>>
      %dma_start3A_46 = tpu.memref_squeeze %dma_start3A_45 : memref<1x316x64xf32, #tpu.memory_space<hbm>> -> memref<316x64xf32, #tpu.memory_space<hbm>>
      %dma_start3A_47 = arith.constant 0 : i32
      %dma_start3A_48 = tpu.memref_slice %arg5[%arg0, %add3A_43, %dma_start3A_47] : memref<2x10112x64xf32, #tpu.memory_space<hbm>> -> memref<1x316x64xf32, #tpu.memory_space<hbm>>
      %dma_start3A_49 = tpu.memref_squeeze %dma_start3A_48 : memref<1x316x64xf32, #tpu.memory_space<hbm>> -> memref<316x64xf32, #tpu.memory_space<hbm>>
      tpu.enqueue_dma source(%arg10 : memref<316x64xf32, #tpu.memory_space<vmem>>) target(%dma_start3A_49 : memref<316x64xf32, #tpu.memory_space<hbm>>) target_semaphore(%run_scoped3A : memref<!tpu.dma_semaphore, #tpu.memory_space<semaphore_mem>>)
      %dma_wait3A = arith.constant 0 : i32
      %dma_wait3A_50 = tpu.memref_slice %arg5[%arg0, %add3A_43, %dma_wait3A] : memref<2x10112x64xf32, #tpu.memory_space<hbm>> -> memref<1x316x64xf32, #tpu.memory_space<hbm>>
      %dma_wait3A_51 = tpu.memref_squeeze %dma_wait3A_50 : memref<1x316x64xf32, #tpu.memory_space<hbm>> -> memref<316x64xf32, #tpu.memory_space<hbm>>
      %dma_wait3A_52 = arith.constant 0 : i32
      %dma_wait3A_53 = tpu.memref_slice %arg5[%arg0, %add3A_43, %dma_wait3A_52] : memref<2x10112x64xf32, #tpu.memory_space<hbm>> -> memref<1x316x64xf32, #tpu.memory_space<hbm>>
      %dma_wait3A_54 = tpu.memref_squeeze %dma_wait3A_53 : memref<1x316x64xf32, #tpu.memory_space<hbm>> -> memref<316x64xf32, #tpu.memory_space<hbm>>
      tpu.wait_dma2 semaphore(%run_scoped3A : memref<!tpu.dma_semaphore, #tpu.memory_space<semaphore_mem>>) src(%arg10 : memref<316x64xf32, #tpu.memory_space<vmem>>) dst(%dma_wait3A_54 : memref<316x64xf32, #tpu.memory_space<hbm>>)
      tpu.yield
    }) : () -> ()
    return
  }
}

#map = affine_map<(d0, d1) -> (0)>
module attributes {stable_mosaic.version = 14 : i64} {
  func.func @deg_kernel(%arg0: i32, %arg1: i32, %arg2: memref<320000xi32, #tpu.memory_space<hbm>>, %arg3: memref<20224xf32, #tpu.memory_space<hbm>>, %arg4: memref<2000xi32, #tpu.memory_space<vmem>>, %arg5: memref<2000xf32, #tpu.memory_space<vmem>>, %arg6: memref<632xf32, #tpu.memory_space<vmem>>, %arg7: memref<10112xf32, #tpu.memory_space<vmem_shared>>, %arg8: memref<!tpu.dma_semaphore, #tpu.memory_space<semaphore_mem>>) attributes {dimension_semantics = [#tpu.dimension_semantics<core_parallel>, #tpu.dimension_semantics<subcore_parallel>], iteration_bounds = array<i64: 2, 16>, scalar_prefetch = 0 : i64, scratch_operands = 5 : i64, tpu.core_type = #tpu.core_type<sc_vector_subcore>, window_params = [{transform_indices = #map}, {transform_indices = #map}]} {
    %mul3A = arith.constant 16 : i32
    %mul3A_0 = arith.muli %arg0, %mul3A : i32
    %add3A = arith.addi %mul3A_0, %arg1 : i32
    %scan3A = arith.constant 0 : i32
    %scan3A_1 = arith.constant 125 : i32
    %scan3A_2 = arith.addi %scan3A, %scan3A_1 : i32
    %scan3A_3 = arith.constant 1 : i32
    scf.for %scan3A_25 = %scan3A to %scan3A_2 step %scan3A_3  : i32 {
      %mul3A_26 = arith.constant 16 : i32
      %mul3A_27 = arith.muli %scan3A_25, %mul3A_26 : i32
      %add3A_28 = arith.constant 0 : i32
      %add3A_29 = arith.addi %add3A_28, %mul3A_27 : i32
      %broadcast_in_dim3A = arith.constant 1.000000e+00 : f32
      %broadcast_in_dim3A_30 = vector.broadcast %broadcast_in_dim3A : f32 to vector<16xf32>
      %swap3A = arith.index_cast %add3A_29 : i32 to index
      %swap3A_31 = tpu.vector_load %arg5[%swap3A] {strides = array<i32>} : memref<2000xf32, #tpu.memory_space<vmem>>, vector<16xf32>,
      %swap3A_32 = vector.shape_cast %swap3A_31 : vector<16xf32> to vector<16xf32>
      %swap3A_33 = vector.shape_cast %broadcast_in_dim3A_30 : vector<16xf32> to vector<16xf32>
      tpu.vector_store %arg5[%swap3A], %swap3A_33 {strides = array<i32>} : memref<2000xf32, #tpu.memory_space<vmem>>, vector<16xf32>,
    }
    %scan3A_4 = arith.constant 125 : i32
    %scan3A_5 = arith.constant 0 : i32
    %scan3A_6 = arith.constant 40 : i32
    %scan3A_7 = arith.addi %scan3A_5, %scan3A_6 : i32
    %scan3A_8 = arith.constant 1 : i32
    scf.for %scan3A_25 = %scan3A_5 to %scan3A_7 step %scan3A_8  : i32 {
      %mul3A_26 = arith.constant 16 : i32
      %mul3A_27 = arith.muli %scan3A_25, %mul3A_26 : i32
      %add3A_28 = arith.constant 0 : i32
      %add3A_29 = arith.addi %add3A_28, %mul3A_27 : i32
      %broadcast_in_dim3A = arith.constant 0.000000e+00 : f32
      %broadcast_in_dim3A_30 = vector.broadcast %broadcast_in_dim3A : f32 to vector<16xf32>
      %swap3A = arith.index_cast %add3A_29 : i32 to index
      %swap3A_31 = tpu.vector_load %arg6[%swap3A] {strides = array<i32>} : memref<632xf32, #tpu.memory_space<vmem>>, vector<16xf32>,
      %swap3A_32 = vector.shape_cast %swap3A_31 : vector<16xf32> to vector<16xf32>
      %swap3A_33 = vector.shape_cast %broadcast_in_dim3A_30 : vector<16xf32> to vector<16xf32>
      tpu.vector_store %arg6[%swap3A], %swap3A_33 {strides = array<i32>} : memref<632xf32, #tpu.memory_space<vmem>>, vector<16xf32>,
    }
    %scan3A_9 = arith.constant 40 : i32
    %mul3A_10 = arith.constant 632 : i32
    %mul3A_11 = arith.muli %arg1, %mul3A_10 : i32
    "tpu.region"() ({
      %run_scoped3A = tpu.sem_alloc : memref<!tpu.dma_semaphore, #tpu.memory_space<semaphore_mem>>
      %dma_start3A = tpu.memref_slice %arg7[%mul3A_11] : memref<10112xf32, #tpu.memory_space<vmem_shared>> -> memref<632xf32, #tpu.memory_space<vmem_shared>>
      %dma_start3A_25 = tpu.memref_slice %arg7[%mul3A_11] : memref<10112xf32, #tpu.memory_space<vmem_shared>> -> memref<632xf32, #tpu.memory_space<vmem_shared>>
      tpu.enqueue_dma source(%arg6 : memref<632xf32, #tpu.memory_space<vmem>>) target(%dma_start3A_25 : memref<632xf32, #tpu.memory_space<vmem_shared>>) target_semaphore(%run_scoped3A : memref<!tpu.dma_semaphore, #tpu.memory_space<semaphore_mem>>)
      %dma_wait3A = tpu.memref_slice %arg7[%mul3A_11] : memref<10112xf32, #tpu.memory_space<vmem_shared>> -> memref<632xf32, #tpu.memory_space<vmem_shared>>
      %dma_wait3A_26 = tpu.memref_slice %arg7[%mul3A_11] : memref<10112xf32, #tpu.memory_space<vmem_shared>> -> memref<632xf32, #tpu.memory_space<vmem_shared>>
      tpu.wait_dma2 semaphore(%run_scoped3A : memref<!tpu.dma_semaphore, #tpu.memory_space<semaphore_mem>>) src(%arg6 : memref<632xf32, #tpu.memory_space<vmem>>) dst(%dma_wait3A_26 : memref<632xf32, #tpu.memory_space<vmem_shared>>)
      tpu.yield
    }) : () -> ()
    %barrier3A = arith.constant 0 : index
    tpu.barrier barrier_id(%barrier3A)
    %scan3A_12 = arith.constant 0 : i32
    %scan3A_13 = arith.constant 5 : i32
    %scan3A_14 = arith.addi %scan3A_12, %scan3A_13 : i32
    %scan3A_15 = arith.constant 1 : i32
    scf.for %scan3A_25 = %scan3A_12 to %scan3A_14 step %scan3A_15  : i32 {
      %mul3A_26 = arith.constant 2000 : i32
      %mul3A_27 = arith.muli %scan3A_25, %mul3A_26 : i32
      %add3A_28 = arith.constant 0 : i32
      %add3A_29 = arith.addi %add3A_28, %mul3A_27 : i32
      %mul3A_30 = arith.constant 10000 : i32
      %mul3A_31 = arith.muli %add3A, %mul3A_30 : i32
      %add3A_32 = arith.addi %mul3A_31, %add3A_29 : i32
      "tpu.region"() ({
        %run_scoped3A = tpu.sem_alloc : memref<!tpu.dma_semaphore, #tpu.memory_space<semaphore_mem>>
        %dma_start3A = tpu.memref_slice %arg2[%add3A_32] : memref<320000xi32, #tpu.memory_space<hbm>> -> memref<2000xi32, #tpu.memory_space<hbm>>
        %dma_start3A_33 = tpu.memref_slice %arg2[%add3A_32] : memref<320000xi32, #tpu.memory_space<hbm>> -> memref<2000xi32, #tpu.memory_space<hbm>>
        tpu.enqueue_dma source(%dma_start3A_33 : memref<2000xi32, #tpu.memory_space<hbm>>) target(%arg4 : memref<2000xi32, #tpu.memory_space<vmem>>) target_semaphore(%run_scoped3A : memref<!tpu.dma_semaphore, #tpu.memory_space<semaphore_mem>>)
        %dma_wait3A = tpu.memref_slice %arg2[%add3A_32] : memref<320000xi32, #tpu.memory_space<hbm>> -> memref<2000xi32, #tpu.memory_space<hbm>>
        %dma_wait3A_34 = tpu.memref_slice %arg2[%add3A_32] : memref<320000xi32, #tpu.memory_space<hbm>> -> memref<2000xi32, #tpu.memory_space<hbm>>
        tpu.wait_dma2 semaphore(%run_scoped3A : memref<!tpu.dma_semaphore, #tpu.memory_space<semaphore_mem>>) src(%dma_wait3A_34 : memref<2000xi32, #tpu.memory_space<hbm>>) dst(%arg4 : memref<2000xi32, #tpu.memory_space<vmem>>)
        tpu.yield
      }) : () -> ()
      "tpu.region"() ({
        %run_scoped3A = tpu.sem_alloc : memref<!tpu.dma_semaphore, #tpu.memory_space<semaphore_mem>>
        %dma_start3A = arith.constant 0 : i32
        %dma_start3A_33 = tpu.memref_slice %arg7[%dma_start3A] : memref<10112xf32, #tpu.memory_space<vmem_shared>> -> memref<10112xf32, #tpu.memory_space<vmem_shared>>
        tpu.enqueue_indirect_dma source(%arg5 : memref<2000xf32, #tpu.memory_space<vmem>>) target(%dma_start3A_33 : memref<10112xf32, #tpu.memory_space<vmem_shared>>) offsets(%arg4 : memref<2000xi32, #tpu.memory_space<vmem>>) semaphore(%run_scoped3A : memref<!tpu.dma_semaphore, #tpu.memory_space<semaphore_mem>>) {add = true}
        %dma_wait3A = arith.constant 0 : i32
        %dma_wait3A_34 = tpu.memref_slice %arg7[%dma_wait3A] : memref<10112xf32, #tpu.memory_space<vmem_shared>> -> memref<10112xf32, #tpu.memory_space<vmem_shared>>
        tpu.wait_indirect_dma semaphore(%run_scoped3A : memref<!tpu.dma_semaphore, #tpu.memory_space<semaphore_mem>>) src(%arg5 : memref<2000xf32, #tpu.memory_space<vmem>>) dst(%dma_wait3A_34 : memref<10112xf32, #tpu.memory_space<vmem_shared>>)
        tpu.yield
      }) : () -> ()
    }
    %scan3A_16 = arith.constant 5 : i32
    %barrier3A_17 = arith.constant 0 : index
    tpu.barrier barrier_id(%barrier3A_17)
    %mul3A_18 = arith.constant 632 : i32
    %mul3A_19 = arith.muli %arg1, %mul3A_18 : i32
    "tpu.region"() ({
      %run_scoped3A = tpu.sem_alloc : memref<!tpu.dma_semaphore, #tpu.memory_space<semaphore_mem>>
      %dma_start3A = tpu.memref_slice %arg7[%mul3A_19] : memref<10112xf32, #tpu.memory_space<vmem_shared>> -> memref<632xf32, #tpu.memory_space<vmem_shared>>
      %dma_start3A_25 = tpu.memref_slice %arg7[%mul3A_19] : memref<10112xf32, #tpu.memory_space<vmem_shared>> -> memref<632xf32, #tpu.memory_space<vmem_shared>>
      tpu.enqueue_dma source(%dma_start3A_25 : memref<632xf32, #tpu.memory_space<vmem_shared>>) target(%arg6 : memref<632xf32, #tpu.memory_space<vmem>>) target_semaphore(%run_scoped3A : memref<!tpu.dma_semaphore, #tpu.memory_space<semaphore_mem>>)
      %dma_wait3A = tpu.memref_slice %arg7[%mul3A_19] : memref<10112xf32, #tpu.memory_space<vmem_shared>> -> memref<632xf32, #tpu.memory_space<vmem_shared>>
      %dma_wait3A_26 = tpu.memref_slice %arg7[%mul3A_19] : memref<10112xf32, #tpu.memory_space<vmem_shared>> -> memref<632xf32, #tpu.memory_space<vmem_shared>>
      tpu.wait_dma2 semaphore(%run_scoped3A : memref<!tpu.dma_semaphore, #tpu.memory_space<semaphore_mem>>) src(%dma_wait3A_26 : memref<632xf32, #tpu.memory_space<vmem_shared>>) dst(%arg6 : memref<632xf32, #tpu.memory_space<vmem>>)
      tpu.yield
    }) : () -> ()
    %mul3A_20 = arith.constant 10112 : i32
    %mul3A_21 = arith.muli %arg0, %mul3A_20 : i32
    %mul3A_22 = arith.constant 632 : i32
    %mul3A_23 = arith.muli %arg1, %mul3A_22 : i32
    %add3A_24 = arith.addi %mul3A_21, %mul3A_23 : i32
    "tpu.region"() ({
      %run_scoped3A = tpu.sem_alloc : memref<!tpu.dma_semaphore, #tpu.memory_space<semaphore_mem>>
      %dma_start3A = tpu.memref_slice %arg3[%add3A_24] : memref<20224xf32, #tpu.memory_space<hbm>> -> memref<632xf32, #tpu.memory_space<hbm>>
      %dma_start3A_25 = tpu.memref_slice %arg3[%add3A_24] : memref<20224xf32, #tpu.memory_space<hbm>> -> memref<632xf32, #tpu.memory_space<hbm>>
      tpu.enqueue_dma source(%arg6 : memref<632xf32, #tpu.memory_space<vmem>>) target(%dma_start3A_25 : memref<632xf32, #tpu.memory_space<hbm>>) target_semaphore(%run_scoped3A : memref<!tpu.dma_semaphore, #tpu.memory_space<semaphore_mem>>)
      %dma_wait3A = tpu.memref_slice %arg3[%add3A_24] : memref<20224xf32, #tpu.memory_space<hbm>> -> memref<632xf32, #tpu.memory_space<hbm>>
      %dma_wait3A_26 = tpu.memref_slice %arg3[%add3A_24] : memref<20224xf32, #tpu.memory_space<hbm>> -> memref<632xf32, #tpu.memory_space<hbm>>
      tpu.wait_dma2 semaphore(%run_scoped3A : memref<!tpu.dma_semaphore, #tpu.memory_space<semaphore_mem>>) src(%arg6 : memref<632xf32, #tpu.memory_space<vmem>>) dst(%dma_wait3A_26 : memref<632xf32, #tpu.memory_space<hbm>>)
      tpu.yield
    }) : () -> ()
    return
  }
}

module attributes {stable_mosaic.version = 14 : i64} {
  func.func @body(%arg0: i32, %arg1: memref<1000x128xf32, #tpu.memory_space<vmem>>, %arg2: memref<128x64xf32, #tpu.memory_space<vmem>>, %arg3: memref<1000x64xf32, #tpu.memory_space<vmem>>) attributes {dimension_semantics = [#tpu.dimension_semantics<arbitrary>], iteration_bounds = array<i64: 10>, scalar_prefetch = 0 : i64, scratch_operands = 0 : i64, tpu.core_type = #tpu.core_type<tc>, window_params = [{transform_indices = @transform_0, window_bounds = array<i64: 1000, 128>}, {pipeline_mode = #tpu.pipeline_mode<synchronous>, transform_indices = @transform_1, window_bounds = array<i64: 128, 64>}, {transform_indices = @transform_2, window_bounds = array<i64: 1000, 64>}]} {
    %get3A = arith.constant 0 : index
    %get3A_0 = arith.constant 0 : index
    %get3A_1 = vector.load %arg1[%get3A, %get3A_0] : memref<1000x128xf32, #tpu.memory_space<vmem>>, vector<1000x128xf32>
    %get3A_2 = arith.constant 0 : index
    %get3A_3 = arith.constant 0 : index
    %get3A_4 = vector.load %arg2[%get3A_2, %get3A_3] : memref<128x64xf32, #tpu.memory_space<vmem>>, vector<128x64xf32>
    %dot_general3A = arith.constant dense<0.000000e+00> : vector<1000x64xf32>
    %dot_general3A_5 = tpu.matmul %get3A_1, %get3A_4, %dot_general3A {dimension_numbers = #tpu.dot_dimension_numbers<[1], [0], [0], [1], [0, 0, 1, 1], [], []>, transpose_lhs_hint = false} : vector<1000x128xf32>, vector<128x64xf32>, vector<1000x64xf32> -> vector<1000x64xf32>
    %swap3A = arith.constant 0 : index
    %swap3A_6 = arith.constant 0 : index
    %swap3A_7 = vector.load %arg3[%swap3A, %swap3A_6] : memref<1000x64xf32, #tpu.memory_space<vmem>>, vector<1000x64xf32>
    tpu.vector_store %arg3[%swap3A, %swap3A_6], %dot_general3A_5 {strides = array<i32>} : memref<1000x64xf32, #tpu.memory_space<vmem>>, vector<1000x64xf32>,
    return
  }
  func.func @transform_0(%arg0: i32) -> (i32, i32) {
    %c0_i32 = arith.constant 0 : i32
    %c0_i32_0 = arith.constant 0 : i32
    return %arg0, %c0_i32 : i32, i32
  }
  func.func @transform_1(%arg0: i32) -> (i32, i32) {
    %c0_i32 = arith.constant 0 : i32
    %c0_i32_0 = arith.constant 0 : i32
    %c0_i32_1 = arith.constant 0 : i32
    return %c0_i32, %c0_i32_0 : i32, i32
  }
  func.func @transform_2(%arg0: i32) -> (i32, i32) {
    %c0_i32 = arith.constant 0 : i32
    %c0_i32_0 = arith.constant 0 : i32
    return %arg0, %c0_i32 : i32, i32
  }
}

module attributes {stable_mosaic.version = 14 : i64} {
  func.func @body(%arg0: i32, %arg1: memref<1000x64xf32, #tpu.memory_space<vmem>>, %arg2: memref<1000x1xf32, #tpu.memory_space<vmem>>, %arg3: memref<1000x1xf32, #tpu.memory_space<vmem>>, %arg4: memref<1000x64xf32, #tpu.memory_space<vmem>>, %arg5: memref<1000x1xf32, #tpu.memory_space<vmem>>) attributes {dimension_semantics = [#tpu.dimension_semantics<arbitrary>], iteration_bounds = array<i64: 10>, scalar_prefetch = 0 : i64, scratch_operands = 0 : i64, tpu.core_type = #tpu.core_type<tc>, window_params = [{transform_indices = @transform_0, window_bounds = array<i64: 1000, 64>}, {transform_indices = @transform_1, window_bounds = array<i64: 1000, 1>}, {transform_indices = @transform_2, window_bounds = array<i64: 1000, 1>}, {transform_indices = @transform_3, window_bounds = array<i64: 1000, 64>}, {transform_indices = @transform_4, window_bounds = array<i64: 1000, 1>}]} {
    %get3A = arith.constant 0 : index
    %get3A_0 = arith.constant 0 : index
    %get3A_1 = vector.load %arg2[%get3A, %get3A_0] : memref<1000x1xf32, #tpu.memory_space<vmem>>, vector<1000x1xf32>
    %get3A_2 = arith.constant 0 : index
    %get3A_3 = arith.constant 0 : index
    %get3A_4 = vector.load %arg3[%get3A_2, %get3A_3] : memref<1000x1xf32, #tpu.memory_space<vmem>>, vector<1000x1xf32>
    %add3A = arith.addf %get3A_1, %get3A_4 : vector<1000x1xf32>
    %add3A_5 = arith.constant 1.000000e+00 : f32
    %add3A_6 = vector.broadcast %add3A_5 : f32 to vector<1000x1xf32>
    %add3A_7 = arith.addf %add3A, %add3A_6 : vector<1000x1xf32>
    %max3A = arith.constant 1.000000e+00 : f32
    %max3A_8 = vector.broadcast %max3A : f32 to vector<1000x1xf32>
    %max3A_9 = arith.maximumf %add3A_7, %max3A_8 : vector<1000x1xf32>
    %rsqrt3A = math.rsqrt %max3A_9 : vector<1000x1xf32>
    %swap3A = arith.constant 0 : index
    %swap3A_10 = arith.constant 0 : index
    %swap3A_11 = vector.load %arg5[%swap3A, %swap3A_10] : memref<1000x1xf32, #tpu.memory_space<vmem>>, vector<1000x1xf32>
    tpu.vector_store %arg5[%swap3A, %swap3A_10], %rsqrt3A {strides = array<i32>} : memref<1000x1xf32, #tpu.memory_space<vmem>>, vector<1000x1xf32>,
    %get3A_12 = arith.constant 0 : index
    %get3A_13 = arith.constant 0 : index
    %get3A_14 = vector.load %arg1[%get3A_12, %get3A_13] : memref<1000x64xf32, #tpu.memory_space<vmem>>, vector<1000x64xf32>
    %mul3A = vector.broadcast %rsqrt3A : vector<1000x1xf32> to vector<1000x64xf32>
    %mul3A_15 = arith.mulf %get3A_14, %mul3A : vector<1000x64xf32>
    %swap3A_16 = arith.constant 0 : index
    %swap3A_17 = arith.constant 0 : index
    %swap3A_18 = vector.load %arg4[%swap3A_16, %swap3A_17] : memref<1000x64xf32, #tpu.memory_space<vmem>>, vector<1000x64xf32>
    tpu.vector_store %arg4[%swap3A_16, %swap3A_17], %mul3A_15 {strides = array<i32>} : memref<1000x64xf32, #tpu.memory_space<vmem>>, vector<1000x64xf32>,
    return
  }
  func.func @transform_0(%arg0: i32) -> (i32, i32) {
    %c0_i32 = arith.constant 0 : i32
    %c0_i32_0 = arith.constant 0 : i32
    return %arg0, %c0_i32 : i32, i32
  }
  func.func @transform_1(%arg0: i32) -> (i32, i32) {
    %c0_i32 = arith.constant 0 : i32
    %c0_i32_0 = arith.constant 0 : i32
    return %arg0, %c0_i32 : i32, i32
  }
  func.func @transform_2(%arg0: i32) -> (i32, i32) {
    %c0_i32 = arith.constant 0 : i32
    %c0_i32_0 = arith.constant 0 : i32
    return %arg0, %c0_i32 : i32, i32
  }
  func.func @transform_3(%arg0: i32) -> (i32, i32) {
    %c0_i32 = arith.constant 0 : i32
    %c0_i32_0 = arith.constant 0 : i32
    return %arg0, %c0_i32 : i32, i32
  }
  func.func @transform_4(%arg0: i32) -> (i32, i32) {
    %c0_i32 = arith.constant 0 : i32
    %c0_i32_0 = arith.constant 0 : i32
    return %arg0, %c0_i32 : i32, i32
  }
}

module attributes {stable_mosaic.version = 14 : i64} {
  func.func @body(%arg0: i32, %arg1: memref<1000x64xf32, #tpu.memory_space<vmem>>, %arg2: memref<1000x64xf32, #tpu.memory_space<vmem>>, %arg3: memref<1000x64xf32, #tpu.memory_space<vmem>>, %arg4: memref<1000x1xf32, #tpu.memory_space<vmem>>, %arg5: memref<1x64xf32, #tpu.memory_space<vmem>>, %arg6: memref<1000x64xf32, #tpu.memory_space<vmem>>) attributes {dimension_semantics = [#tpu.dimension_semantics<arbitrary>], iteration_bounds = array<i64: 10>, scalar_prefetch = 0 : i64, scratch_operands = 0 : i64, tpu.core_type = #tpu.core_type<tc>, window_params = [{transform_indices = @transform_0, window_bounds = array<i64: 1000, 64>}, {transform_indices = @transform_1, window_bounds = array<i64: 1000, 64>}, {transform_indices = @transform_2, window_bounds = array<i64: 1000, 64>}, {transform_indices = @transform_3, window_bounds = array<i64: 1000, 1>}, {pipeline_mode = #tpu.pipeline_mode<synchronous>, transform_indices = @transform_4, window_bounds = array<i64: 1, 64>}, {transform_indices = @transform_5, window_bounds = array<i64: 1000, 64>}]} {
    %get3A = arith.constant 0 : index
    %get3A_0 = arith.constant 0 : index
    %get3A_1 = vector.load %arg4[%get3A, %get3A_0] : memref<1000x1xf32, #tpu.memory_space<vmem>>, vector<1000x1xf32>
    %get3A_2 = arith.constant 0 : index
    %get3A_3 = arith.constant 0 : index
    %get3A_4 = vector.load %arg1[%get3A_2, %get3A_3] : memref<1000x64xf32, #tpu.memory_space<vmem>>, vector<1000x64xf32>
    %get3A_5 = arith.constant 0 : index
    %get3A_6 = arith.constant 0 : index
    %get3A_7 = vector.load %arg2[%get3A_5, %get3A_6] : memref<1000x64xf32, #tpu.memory_space<vmem>>, vector<1000x64xf32>
    %add3A = arith.addf %get3A_4, %get3A_7 : vector<1000x64xf32>
    %get3A_8 = arith.constant 0 : index
    %get3A_9 = arith.constant 0 : index
    %get3A_10 = vector.load %arg3[%get3A_8, %get3A_9] : memref<1000x64xf32, #tpu.memory_space<vmem>>, vector<1000x64xf32>
    %add3A_11 = arith.addf %add3A, %get3A_10 : vector<1000x64xf32>
    %mul3A = vector.broadcast %get3A_1 : vector<1000x1xf32> to vector<1000x64xf32>
    %mul3A_12 = arith.mulf %mul3A, %add3A_11 : vector<1000x64xf32>
    %get3A_13 = arith.constant 0 : index
    %get3A_14 = arith.constant 0 : index
    %get3A_15 = vector.load %arg5[%get3A_13, %get3A_14] : memref<1x64xf32, #tpu.memory_space<vmem>>, vector<1x64xf32>
    %add3A_16 = vector.broadcast %get3A_15 : vector<1x64xf32> to vector<1000x64xf32>
    %add3A_17 = arith.addf %mul3A_12, %add3A_16 : vector<1000x64xf32>
    %max3A = arith.constant 0.000000e+00 : f32
    %max3A_18 = vector.broadcast %max3A : f32 to vector<1000x64xf32>
    %max3A_19 = arith.maximumf %add3A_17, %max3A_18 : vector<1000x64xf32>
    %mul3A_20 = vector.broadcast %get3A_1 : vector<1000x1xf32> to vector<1000x64xf32>
    %mul3A_21 = arith.mulf %mul3A_20, %max3A_19 : vector<1000x64xf32>
    %swap3A = arith.constant 0 : index
    %swap3A_22 = arith.constant 0 : index
    %swap3A_23 = vector.load %arg6[%swap3A, %swap3A_22] : memref<1000x64xf32, #tpu.memory_space<vmem>>, vector<1000x64xf32>
    tpu.vector_store %arg6[%swap3A, %swap3A_22], %mul3A_21 {strides = array<i32>} : memref<1000x64xf32, #tpu.memory_space<vmem>>, vector<1000x64xf32>,
    return
  }
  func.func @transform_0(%arg0: i32) -> (i32, i32) {
    %c0_i32 = arith.constant 0 : i32
    %c0_i32_0 = arith.constant 0 : i32
    return %arg0, %c0_i32 : i32, i32
  }
  func.func @transform_1(%arg0: i32) -> (i32, i32) {
    %c0_i32 = arith.constant 0 : i32
    %c0_i32_0 = arith.constant 0 : i32
    return %arg0, %c0_i32 : i32, i32
  }
  func.func @transform_2(%arg0: i32) -> (i32, i32) {
    %c0_i32 = arith.constant 0 : i32
    %c0_i32_0 = arith.constant 0 : i32
    return %arg0, %c0_i32 : i32, i32
  }
  func.func @transform_3(%arg0: i32) -> (i32, i32) {
    %c0_i32 = arith.constant 0 : i32
    %c0_i32_0 = arith.constant 0 : i32
    return %arg0, %c0_i32 : i32, i32
  }
  func.func @transform_4(%arg0: i32) -> (i32, i32) {
    %c0_i32 = arith.constant 0 : i32
    %c0_i32_0 = arith.constant 0 : i32
    %c0_i32_1 = arith.constant 0 : i32
    return %c0_i32, %c0_i32_0 : i32, i32
  }
  func.func @transform_5(%arg0: i32) -> (i32, i32) {
    %c0_i32 = arith.constant 0 : i32
    %c0_i32_0 = arith.constant 0 : i32
    return %arg0, %c0_i32 : i32, i32
  }
}

module attributes {stable_mosaic.version = 14 : i64} {
  func.func @body(%arg0: i32, %arg1: memref<1000x64xf32, #tpu.memory_space<vmem>>, %arg2: memref<1000x64xf32, #tpu.memory_space<vmem>>, %arg3: memref<1000x64xf32, #tpu.memory_space<vmem>>, %arg4: memref<1000x1xf32, #tpu.memory_space<vmem>>, %arg5: memref<64x128xf32, #tpu.memory_space<vmem>>, %arg6: memref<1x128xf32, #tpu.memory_space<vmem>>, %arg7: memref<1000x128xf32, #tpu.memory_space<vmem>>) attributes {dimension_semantics = [#tpu.dimension_semantics<arbitrary>], iteration_bounds = array<i64: 10>, scalar_prefetch = 0 : i64, scratch_operands = 0 : i64, tpu.core_type = #tpu.core_type<tc>, window_params = [{transform_indices = @transform_0, window_bounds = array<i64: 1000, 64>}, {transform_indices = @transform_1, window_bounds = array<i64: 1000, 64>}, {transform_indices = @transform_2, window_bounds = array<i64: 1000, 64>}, {transform_indices = @transform_3, window_bounds = array<i64: 1000, 1>}, {pipeline_mode = #tpu.pipeline_mode<synchronous>, transform_indices = @transform_4, window_bounds = array<i64: 64, 128>}, {pipeline_mode = #tpu.pipeline_mode<synchronous>, transform_indices = @transform_5, window_bounds = array<i64: 1, 128>}, {transform_indices = @transform_6, window_bounds = array<i64: 1000, 128>}]} {
    %get3A = arith.constant 0 : index
    %get3A_0 = arith.constant 0 : index
    %get3A_1 = vector.load %arg4[%get3A, %get3A_0] : memref<1000x1xf32, #tpu.memory_space<vmem>>, vector<1000x1xf32>
    %get3A_2 = arith.constant 0 : index
    %get3A_3 = arith.constant 0 : index
    %get3A_4 = vector.load %arg1[%get3A_2, %get3A_3] : memref<1000x64xf32, #tpu.memory_space<vmem>>, vector<1000x64xf32>
    %get3A_5 = arith.constant 0 : index
    %get3A_6 = arith.constant 0 : index
    %get3A_7 = vector.load %arg2[%get3A_5, %get3A_6] : memref<1000x64xf32, #tpu.memory_space<vmem>>, vector<1000x64xf32>
    %add3A = arith.addf %get3A_4, %get3A_7 : vector<1000x64xf32>
    %get3A_8 = arith.constant 0 : index
    %get3A_9 = arith.constant 0 : index
    %get3A_10 = vector.load %arg3[%get3A_8, %get3A_9] : memref<1000x64xf32, #tpu.memory_space<vmem>>, vector<1000x64xf32>
    %add3A_11 = arith.addf %add3A, %get3A_10 : vector<1000x64xf32>
    %mul3A = vector.broadcast %get3A_1 : vector<1000x1xf32> to vector<1000x64xf32>
    %mul3A_12 = arith.mulf %mul3A, %add3A_11 : vector<1000x64xf32>
    %get3A_13 = arith.constant 0 : index
    %get3A_14 = arith.constant 0 : index
    %get3A_15 = vector.load %arg5[%get3A_13, %get3A_14] : memref<64x128xf32, #tpu.memory_space<vmem>>, vector<64x128xf32>
    %dot_general3A = arith.constant dense<0.000000e+00> : vector<1000x128xf32>
    %dot_general3A_16 = tpu.matmul %mul3A_12, %get3A_15, %dot_general3A {dimension_numbers = #tpu.dot_dimension_numbers<[1], [0], [0], [1], [0, 0, 1, 1], [], []>, transpose_lhs_hint = false} : vector<1000x64xf32>, vector<64x128xf32>, vector<1000x128xf32> -> vector<1000x128xf32>
    %get3A_17 = arith.constant 0 : index
    %get3A_18 = arith.constant 0 : index
    %get3A_19 = vector.load %arg6[%get3A_17, %get3A_18] : memref<1x128xf32, #tpu.memory_space<vmem>>, vector<1x128xf32>
    %add3A_20 = vector.broadcast %get3A_19 : vector<1x128xf32> to vector<1000x128xf32>
    %add3A_21 = arith.addf %dot_general3A_16, %add3A_20 : vector<1000x128xf32>
    %swap3A = arith.constant 0 : index
    %swap3A_22 = arith.constant 0 : index
    %swap3A_23 = vector.load %arg7[%swap3A, %swap3A_22] : memref<1000x128xf32, #tpu.memory_space<vmem>>, vector<1000x128xf32>
    tpu.vector_store %arg7[%swap3A, %swap3A_22], %add3A_21 {strides = array<i32>} : memref<1000x128xf32, #tpu.memory_space<vmem>>, vector<1000x128xf32>,
    return
  }
  func.func @transform_0(%arg0: i32) -> (i32, i32) {
    %c0_i32 = arith.constant 0 : i32
    %c0_i32_0 = arith.constant 0 : i32
    return %arg0, %c0_i32 : i32, i32
  }
  func.func @transform_1(%arg0: i32) -> (i32, i32) {
    %c0_i32 = arith.constant 0 : i32
    %c0_i32_0 = arith.constant 0 : i32
    return %arg0, %c0_i32 : i32, i32
  }
  func.func @transform_2(%arg0: i32) -> (i32, i32) {
    %c0_i32 = arith.constant 0 : i32
    %c0_i32_0 = arith.constant 0 : i32
    return %arg0, %c0_i32 : i32, i32
  }
  func.func @transform_3(%arg0: i32) -> (i32, i32) {
    %c0_i32 = arith.constant 0 : i32
    %c0_i32_0 = arith.constant 0 : i32
    return %arg0, %c0_i32 : i32, i32
  }
  func.func @transform_4(%arg0: i32) -> (i32, i32) {
    %c0_i32 = arith.constant 0 : i32
    %c0_i32_0 = arith.constant 0 : i32
    %c0_i32_1 = arith.constant 0 : i32
    return %c0_i32, %c0_i32_0 : i32, i32
  }
  func.func @transform_5(%arg0: i32) -> (i32, i32) {
    %c0_i32 = arith.constant 0 : i32
    %c0_i32_0 = arith.constant 0 : i32
    %c0_i32_1 = arith.constant 0 : i32
    return %c0_i32, %c0_i32_0 : i32, i32
  }
  func.func @transform_6(%arg0: i32) -> (i32, i32) {
    %c0_i32 = arith.constant 0 : i32
    %c0_i32_0 = arith.constant 0 : i32
    return %arg0, %c0_i32 : i32, i32
  }
}

</mosaic_0001>

<sc_bundles>
// kernel: kernel.12.cloned.1.call-start
scs
__scs_entry_jumppad:
0x0: {  	(pc) =	sbr.rel $0x88, $3  }
0x1: {  	(tag) =	ssettag $0x0;
	lr =	simm.s32 $0x1  }
0x2: {  	[smem:$0x3F9B] =	sst lr;
	_ =	strace $0xD0000000  }
0x3: {  	_ = 	snop  }
0x4: {  	_ = 	snop  }
0x5: {  	_ = 	snop  }
0x6: {  	_ = 	snop  }
0x7: {  	_ = 	snop  }
__scs_overlays_trampoline_lowered:
0x8: {  	[smem:$0x3FAA] =	sst s0  }
0x9: {  	[smem:$0x3FAB] =	sst s1  }
0xa: {  	[smem:$0x3FAC] =	sst s2  }
0xb: {  	[smem:$0x3FAD] =	sst s3  }
0xc: {  	[smem:$0x3FAE] =	sst s4  }
0xd: {  	[smem:$0x3FAF] =	sst s5  }
0xe: {  	[smem:$0x3FB0] =	sst s6  }
0xf: {  	[smem:$0x3FB1] =	sst s7  }
0x10: {  	[smem:$0x3FB2] =	sst s8  }
0x11: {  	[smem:$0x3FB3] =	sst s9;
	s0 =	simm.s32 @!p0 $0x0  }
0x12: {  	s1 =	sld [smem:$0x3F99];
	s0 =	simm.s32 @p0 $0x1  }
0x13: {  	[smem:$0x3FB4] =	sst s0;
	s0 =	simm.s32 @!p1 $0x0  }
0x14: {  	s2 =	sld [smem:$0x3F98];
	s0 =	simm.s32 @p1 $0x1  }
0x15: {  	[smem:$0x3FB5] =	sst s0;
	s0 =	simm.s32 @!p2 $0x0  }
0x16: {  	s3 =	sld [smem:$0x3FDB];
	s0 =	simm.s32 @p2 $0x1  }
0x17: {  	s4 =	simm.s32 $0x1BF5;
	[smem:$0x3FB7] =	sst s0  }
0x18: {  	s0 =	sld [smem:$0x3F9A];
	_ =	swait.ge [sflag:s4], $0x0  }
0x19: {  	s7 =	sld [smem:$0x3F9B]  }
0x1a: {  	s8 =	sadd.s32 $0xFFFFE003, lr  }
0x1b: {  	s9 =	sadd.s32 $0xFFFFFEF7, lr;
	s5 =	simm.s32 $0xFFFFFFFF;
	p2 =	slt.u32 s8, $0xFFFFF086  }
0x1c: {  	p1 =	slt.u32 s9, $0xF7A;
	s5 =	simm.s32 @!p2 $0x0  }
0x1d: {  	s5 =	simm.s32 @p1 $0x1;
	p0 =	seq.s32 s7, s2  }
0x1e: {  	s7 =	smul.u32 @!p0 $0xF7A, s2;
	p2 =	seq.s32 @!p0 s5, $0x0  }
0x1f: {  	s9 =	smul.u32 $0xF7A, s1;
	s8 =	simm.s32 @!p0 $0x1BF5;
	p2 =	por !p2, p0  }
0x20: {  	[sflag:s8] =	ssyncset.s32 @!p0 $0xFFFFF086;
	s6 =	sadd.s32 @!p0 s3, s7;
	s7 =	simm.s32 @!p0 $0x108  }
0x21: {  	s3 =	sadd.s32 s3, s9;
	s6 =	sadd.s32 @!p0 $0x88, s6;
	s7 =	simm.s32 @p2 $0x1082  }
0x22: {  	[simem:s7], [sflag:s8] =	dma.local @!p0 [hbm:s6], $0xF7A  }
0x23: {  	s9 =	sor.u32 $0xD0000000, s2;
	s6 =	simm.s32 $0x108;
	_ =	swait.ge @!p0 [sflag:s8], $0x0  }
0x24: {  	s3 =	sadd.s32 $0x88, s3;
	s6 =	simm.s32 @!p1 $0x1082;
	[sflag:s4] =	ssyncset.s32 $0xFFFFF086  }
0x25: {  	[simem:s6], [sflag:s4] =	dma.local [hbm:s3], $0xF7A  }
0x26: {  	[smem:$0x3F9B] =	sst s1;
	(tag) =	ssettag s2;
	_ =	strace s9  }
0x27: {  	s1 =	sld [smem:$0x3FAB]  }
0x28: {  	s2 =	sld [smem:$0x3FAC]  }
0x29: {  	s4 =	sld [smem:$0x3FAE]  }
0x2a: {  	p0 =	seq.s32 s5, $0x0;
	s5 =	sld [smem:$0x3FAF]  }
0x2b: {  	s6 =	sld [smem:$0x3FB0]  }
0x2c: {  	s7 =	sld [smem:$0x3FB1]  }
0x2d: {  	s3 =	simm.s32 $0x108;
	s8 =	sld [smem:$0x3FB2]  }
0x2e: {  	s3 =	simm.s32 @!p0 $0x1082;
	s9 =	sld [smem:$0x3FB3]  }
0x2f: {  	lr =	sadd.s32 s0, s3;
	s0 =	sld [smem:$0x3FAA]  }
0x30: {  	s3 =	sld [smem:$0x3FAD]  }
0x31: {  	[smem:$0x3FB6] =	sst s10  }
0x32: {  	s10 =	sld [smem:$0x3FB4];
	_ =	sdelay $0x3  }
0x33: {  	p0 =	seq.s32 s10, $0x1;
	s10 =	sld [smem:$0x3FB6];
	_ =	sdelay $0x3  }
0x34: {  	[smem:$0x3FB6] =	sst s10  }
0x35: {  	s10 =	sld [smem:$0x3FB5];
	_ =	sdelay $0x3  }
0x36: {  	p1 =	seq.s32 s10, $0x1;
	s10 =	sld [smem:$0x3FB6];
	_ =	sdelay $0x3  }
0x37: {  	[smem:$0x3FB6] =	sst s10  }
0x38: {  	s10 =	sld [smem:$0x3FB7]  }
0x39: {  	_ = 	snop;
	(pc) =	sbr.ind lr, $3  }
0x3a: {  	_ = 	snop  }
0x3b: {  	_ = 	snop  }
0x3c: {  	p2 =	seq.s32 s10, $0x1;
	s10 =	sld [smem:$0x3FB6]  }
0x3d: {  	_ =	shalt  }
0x3e: {  	_ =	shalt  }
0x3f: {  	_ =	shalt  }
0x40: {  	_ =	shalt  }
0x41: {  	_ =	shalt  }
0x42: {  	_ =	shalt  }
0x43: {  	_ =	shalt  }
0x44: {  	_ =	shalt  }
0x45: {  	_ =	shalt  }
0x46: {  	_ =	shalt  }
0x47: {  	_ =	shalt  }
0x48: {  	_ =	shalt  }
0x49: {  	_ =	shalt  }
0x4a: {  	_ =	shalt  }
0x4b: {  	_ =	shalt  }
0x4c: {  	_ =	shalt  }
0x4d: {  	_ =	shalt  }
0x4e: {  	_ =	shalt  }
0x4f: {  	_ =	shalt  }
0x50: {  	_ =	shalt  }
0x51: {  	_ =	shalt  }
0x52: {  	_ =	shalt  }
0x53: {  	_ =	shalt  }
0x54: {  	_ =	shalt  }
0x55: {  	_ =	shalt  }
0x56: {  	_ =	shalt  }
0x57: {  	_ =	shalt  }
0x58: {  	_ =	shalt  }
0x59: {  	_ =	shalt  }
0x5a: {  	_ =	shalt  }
0x5b: {  	_ =	shalt  }
0x5c: {  	_ =	shalt  }
0x5d: {  	_ =	shalt  }
0x5e: {  	_ =	shalt  }
0x5f: {  	_ =	shalt  }
0x60: {  	_ =	shalt  }
0x61: {  	_ =	shalt  }
0x62: {  	_ =	shalt  }
0x63: {  	_ =	shalt  }
0x64: {  	_ =	shalt  }
0x65: {  	_ =	shalt  }
0x66: {  	_ =	shalt  }
0x67: {  	_ =	shalt  }
0x68: {  	_ =	shalt  }
0x69: {  	_ =	shalt  }
0x6a: {  	_ =	shalt  }
0x6b: {  	_ =	shalt  }
0x6c: {  	_ =	shalt  }
0x6d: {  	_ =	shalt  }
0x6e: {  	_ =	shalt  }
0x6f: {  	_ =	shalt  }
0x70: {  	_ =	shalt  }
0x71: {  	_ =	shalt  }
0x72: {  	_ =	shalt  }
0x73: {  	_ =	shalt  }
0x74: {  	_ =	shalt  }
0x75: {  	_ =	shalt  }
0x76: {  	_ =	shalt  }
0x77: {  	_ =	shalt  }
0x78: {  	_ =	shalt  }
0x79: {  	_ =	shalt  }
0x7a: {  	_ =	shalt  }
0x7b: {  	_ =	shalt  }
0x7c: {  	_ =	shalt  }
0x7d: {  	_ =	shalt  }
0x7e: {  	_ =	shalt  }
0x7f: {  	_ =	shalt  }
0x80: {  	_ =	shalt  }
0x81: {  	_ =	shalt  }
0x82: {  	_ =	shalt  }
0x83: {  	_ =	shalt  }
0x84: {  	_ =	shalt  }
0x85: {  	_ =	shalt  }
0x86: {  	_ =	shalt  }
0x87: {  	_ =	shalt  }
.Lfunc_end0:
.L_simem_size_0:
called_computation.1_lowered:
.L_overlay_start_0:
0x88: {  	s2 =	sld [smem:$0x3FD9]  }
0x89: {  	s3 =	sld [smem:$0x3FFE];
	_ =	sdelay $0x1  }
0x8a: {  	s1 =	srdreg.scid  }
0x8b: {  	s0 =	sand.u32 $0x1, s1  }
0x8c: {  	s16 =	sshll.u32 s0, $0xA;
	s2 =	sadd.s32 s3, s2  }
0x8d: {  	s2 =	sadd.s32 s2, s16  }
0x8e: {  	[smem:$0x3FC2] =	sst s2  }
0x8f: {  	_ = 	snop  }
0x90: {  	(tm) =	ssettm $0x1  }
0x91: {  	s17 =	sld [smem:$0x3FFB];
	_ =	sdelay $0x3  }
0x92: {  	_ =	strace s17  }
0x93: {  	s2 =	sld [smem:$0x3FFC];
	_ =	sdelay $0x3  }
0x94: {  	_ =	strace s2  }
0x95: {  	s2 =	sld [smem:$0x3FFD];
	_ =	sdelay $0x3  }
0x96: {  	_ =	strace s2  }
0x97: {  	_ =	strace $0x8FFFFFFF  }
0x98: {  	s18 =	sld [smem:$0x3FDB];
	_ =	sdelay $0x1  }
0x99: {  	s19 =	simm.s32 $_scs_section_size  }
0x9a: {  	s4 =	simm.s32 $_size__tile_overlayer_lowered;
	s5 =	simm.s32 $_tile_overlayer_lowered  }
0x9b: {  	s22 =	simm.s32 $0x1BFF;
	s21 =	sshll.u32 s5, $0x1;
	s2 =	sadd.s32 s19, s18  }
0x9c: {  	s6 =	simm.s32 $0x0;
	s20 =	sshll.u32 s4, $0x1;
	s4 =	sadd.s32 s21, s2  }
0x9d: {  	[timem:s6], [sflag:s22] =	dma.local [hbm:s4], s20  }
0x9e: {  	_ =	swait.ge [sflag:s22], s20  }
0x9f: {  	s3 =	ssub.s32 $0x0, s20;
	[sflag:s22] =	ssyncset.done $0x0  }
0xa0: {  	[sflag:s22] =	ssyncadd.s32 s3;
	_ =	sdelay $0x1  }
0xa1: {  	s23 =	simm.s32 $0x1B8B  }
0xa2: {  	_ =	swait.ge [sflag:s23], $0x1  }
0xa3: {  	[sflag:s23] =	ssyncset.done $0x0  }
0xa4: {  	s25 =	simm.s32 $0x1B8E;
	s24 =	sld [smem:$0x3FFE];
	[sflag:s23] =	ssyncadd.s32 $0xFFFFFFFF  }
0xa5: {  	s26 =	simm.s32 $execute0_lowered;
	[smem:$0x3FD2] =	sst s25  }
0xa6: {  	s4 =	sshll.u32 s26, $0x1;
	_ =	strace $0x80000049;
	[dreg:$0x1] =	wrdreg $0xFFFFFFFF  }
0xa7: {  	s28 =	simm.s32 $_size_execute0_lowered;
	s2 =	sadd.s32 s2, s4;
	[dreg:$0x0] =	wrdreg $0x0  }
0xa8: {  	s4 =	sshll.u32 s28, $0x1;
	[dreg:$0x2] =	wrdreg s2  }
0xa9: {  	[dreg:$0x3] =	wrdreg s4  }
0xaa: {  	[dreg:$0x4] =	wrdreg $0xC0  }
0xab: {  	_ =	task [dreg:s6], $0x5FFFF  }
0xac: {  	[dreg:$0x1] =	wrdreg $0xFFFFFFFF  }
0xad: {  	[dreg:$0x0] =	wrdreg $0x60  }
0xae: {  	[dreg:$0x2] =	wrdreg s24  }
0xaf: {  	[dreg:$0x3] =	wrdreg $0x101200  }
0xb0: {  	[dreg:$0x4] =	wrdreg $0x9  }
0xb1: {  	_ =	task.clear_ibuf [dreg:s6], $0x5FFFF;
	_ =	strace $0x90000049  }
0xb2: {  	s29 =	simm.s32 $0x9;
	_ =	strace $0x8000004B  }
0xb3: {  	_ =	swait.ge [sflag:s29], $0x1  }
0xb4: {  	[sflag:s29] =	ssyncadd.s32 $0xFFFFFFFF  }
0xb5: {  	_ =	strace $0x9000004B  }
0xb6: {  	_ =	sfence  }
0xb7: {  	s30 =	sld [smem:$0x0];
	_ =	sdelay $0x2  }
0xb8: {  	s31 =	sshll.u32 s1, $0xD;
	s1 =	sshrl.u32 s1, $0x2  }
0xb9: {  	s3 =	sand.u32 $0x4000, s31;
	s1 =	sadd.s32 s1, s30  }
0xba: {  	s0 =	sor.u32 s3, s0;
	s1 =	sshll.u32 s1, $0x11  }
0xbb: {  	s0 =	sor.u32 s1, s0  }
0xbc: {  	s0 =	sadd.s32 $0x8F2B, s0  }
0xbd: {  	[sflag:s0] =	ssyncadd.remote.s32 $0x1  }
0xbe: {  	_ =	sfence.sel $0xFFFF  }
0xbf: {  	[dreg:$0x0] =	wrdreg $0xFFFFFFFF;
	(pc) =	sbr.abs _section_cstart, $3  }
0xc0: {  	[dreg:$0x1] =	wrdreg $0xFFFFFFFF  }
0xc1: {  	_ =	task.clear_ibuf [dreg:s6], $0x2FFFF;
	_ =	strace $0x9FFFFFFF  }
0xc2: {  	(tm) =	ssettm $0x7FFFFFFF  }
0xc3: {  	_ =	shalt  }
tec
execute0_lowered:
.L_overlay_start_1:
0x0: {  	(tag) =	ssettag $0x1  }
0x1: {  	s0 =	srdreg.scid;
	s5 =	rddreg [dreg:$0x0]  }
0x2: {  	s2 =	rddreg [dreg:$0x1];
	s1 =	stileid.u32  }
0x3: {  	s3 =	simm.s32 $0x0;
	s14 =	simm.s32 $0xB220;
	s15 =	simm.s32 $0xC8  }
0x4: {  	s16 =	simm.s32 $0x4E20;
	s17 =	simm.s32 $0x8020;
	s18 =	simm.s32 $0x1  }
0x5: {  	s19 =	simm.s32 $0x2;
	s20 =	simm.s32 $0x4C90;
	s21 =	simm.s32 $0x4D58  }
0x6: {  	s22 =	simm.s32 $0x0;
	s6 =	sand.u32 $0x1, s0;
	s0 =	rddreg [dreg:$0x2]  }
0x7: {  	[smem:$0x7FF] =	sst s3;
	s9 =	smul.u32 $0x9E00, s1;
	s10 =	sadd.s32 $0x29C00, s5  }
0x8: {  	s4 =	sshll.u32 s6, $0x4;
	_ =	strace $0x8000004A;
	s8 =	ssub.s32 $0x2, s6  }
0x9: {  	s11 =	smul.u32 $0x9E000, s6;
	s4 =	sor.u32 s1, s4;
	s29 =	sshrl.u32 s8, $0x1  }
0xa: {  	s30 =	sadd.s32 $0x4F00, s9;
	s7 =	smul.u32 $0x4E2, s4;
	s4 =	sadd.s32 $0x16200, s5  }
0xb: {  	s12 =	ssub.s32 s8, s29;
	s13 =	sadd.s32 s9, s11;
	s11 =	sadd.s32 s11, s30  }
0xc: {  	s8 =	sadd.s32 s30, s2;
	s31 =	sshrl.u32 s13, $0x3;
	s7 =	sadd.s32 s7, s5  }
0xd: {  	s11 =	sshrl.u32 s11, $0x3;
	s13 =	simm.s32 $0x2710;
	s5 =	sadd.s32 $0x2600, s7  }
0xe: {  	s6 =	sadd.s32 $0xC400, s7;
	s7 =	sadd.s32 s9, s2;
	s9 =	sadd.s32 s10, s31  }
0xf: {  	v0 =	vimm.f32 $0.0e+00;
	s10 =	sadd.s32 s10, s11;
	s11 =	smax.u32 s12, $0x1;
	s12 =	simm.s32 $0x3  }
.LBB2_1:
0x10: {  	[tilespmem:s3], [sflag:$0x3] =	stream.linear.gather [hbm4b:s5+s3], $0x2710, $0x38;
	[tilespmem:$0x19F20] =	vst v63  }
0x11: {  	_ =	swait.ge [sflag:s12], $0x2710  }
0x12: {  	[sflag:s12] =	ssyncset.done $0x0  }
0x13: {  	[sflag:s12] =	ssyncadd.s32 $0xFFFFD8F0  }
0x14: {  	[tilespmem:s13], [sflag:$0x3] =	stream.linear.gather [hbm4b:s6+s3], $0x2710, $0x38;
	[tilespmem:$0x19F20] =	vst v63  }
0x15: {  	_ =	swait.ge [sflag:s12], $0x2710  }
0x16: {  	[sflag:s12] =	ssyncset.done $0x0  }
0x17: {  	s24 =	simm.s32 $0x100;
	s23 =	simm.s32 $0x0;
	[sflag:s12] =	ssyncadd.s32 $0xFFFFD8F0  }
.LBB2_2:
0x18: {  	p0 =	sne.s32 s24, $0x13B00;
	[tilespmem:s23+$0xB250] =	vst v0;
	s25 =	smov.u32 s24;
	s24 =	sadd.s32 $0x100, s24  }
.Ltmp0:
0x19: {  	[tilespmem:s23+$0xB240] =	vst v0;
	(pc) =	sbr.rel @p0 .LBB2_2-.Ltmp0, $3  }
0x1a: {  	[tilespmem:s23+$0xB220] =	vst v0  }
0x1b: {  	[tilespmem:s23+$0xB230] =	vst v0;
	_ =	sdelay $0x1  }
0x1c: {  	s23 =	sshra.s32 s25, $0x2  }
0x1d: {  	[tilespmem:s23+$0xB250] =	vst v0  }
0x1e: {  	[tilespmem:s23+$0xB240] =	vst v0  }
0x1f: {  	[tilespmem:s23+$0xB220] =	vst v0  }
0x20: {  	[tilespmem:s23+$0xB230] =	vst v0  }
0x21: {  	[spmem:s7] =	stream.linear.scatter [tilespmem:s14], [sflag:$0x3], $0x4F00, $0x38;
	[tilespmem:$0x19F20] =	vst v63  }
0x22: {  	_ =	swait.ge [sflag:s12], $0x4F00  }
0x23: {  	[sflag:s12] =	ssyncset.done $0x0  }
0x24: {  	[sflag:s12] =	ssyncadd.s32 $0xFFFFB100  }
0x25: {  	[spmem:s8] =	stream.linear.scatter [tilespmem:s14], [sflag:$0x3], $0x4F00, $0x38;
	[tilespmem:$0x19F20] =	vst v63  }
0x26: {  	_ =	swait.ge [sflag:s12], $0x4F00  }
0x27: {  	[sflag:s12] =	ssyncset.done $0x0  }
0x28: {  	[sflag:s12] =	ssyncadd.s32 $0xFFFFB100  }
0x29: {  	s28 =	simm.s32 $0x0;
	[bflag:$0x0] =	sbarrier.arrive $0xFFFF  }
0x2a: {  	[tilespmem:s16], [sflag:$0x1] =	stream.indirect.gather [hbm4b:s4+s15], $0x40, s28, s15, $0xb8;
	[tilespmem:$0x19F20] =	vst v63  }
0x2b: {  	_ = 	snop  }
0x2c: {  	[tilespmem:s17], [sflag:$0x2] =	stream.indirect.gather [hbm4b:s4+s15], $0x40, s15, s15, $0xb8;
	[tilespmem:$0x19F20] =	vst v63  }
0x2d: {  	_ =	swait.ge [sflag:s18], $0x3200  }
0x2e: {  	[sflag:s18] =	ssyncset.done $0x0  }
0x2f: {  	s29 =	simm.s32 $0x2710;
	[sflag:s18] =	ssyncadd.s32 $0xFFFFCE00  }
0x30: {  	[spmem:s2] =	stream.indirect.scatter.add.f32 [tilespmem:s16], [sflag:$0x3], $0x40, s29, s15, $0xb8;
	[tilespmem:$0x19F20] =	vst v63  }
0x31: {  	_ =	swait.ge [sflag:s12], $0x3200  }
0x32: {  	[sflag:s12] =	ssyncset.done $0x0  }
0x33: {  	s30 =	simm.s32 $0x190;
	[sflag:s12] =	ssyncadd.s32 $0xFFFFCE00  }
0x34: {  	[tilespmem:s16], [sflag:$0x1] =	stream.indirect.gather [hbm4b:s4+s15], $0x40, s30, s15, $0xb8;
	[tilespmem:$0x19F20] =	vst v63  }
0x35: {  	_ =	swait.ge [sflag:s19], $0x3200  }
0x36: {  	[sflag:s19] =	ssyncset.done $0x0  }
0x37: {  	s31 =	simm.s32 $0x27D8;
	[sflag:s19] =	ssyncadd.s32 $0xFFFFCE00  }
0x38: {  	[spmem:s2] =	stream.indirect.scatter.add.f32 [tilespmem:s17], [sflag:$0x3], $0x40, s31, s15, $0xb8;
	[tilespmem:$0x19F20] =	vst v63  }
0x39: {  	_ =	swait.ge [sflag:s12], $0x3200  }
0x3a: {  	[sflag:s12] =	ssyncset.done $0x0  }
0x3b: {  	s23 =	simm.s32 $0x640;
	s24 =	simm.s32 $0x258;
	[sflag:s12] =	ssyncadd.s32 $0xFFFFCE00  }
.LBB2_4:
0x3c: {  	[tilespmem:s17], [sflag:$0x2] =	stream.indirect.gather [hbm4b:s4+s15], $0x40, s24, s15, $0xb8;
	[tilespmem:$0x19F20] =	vst v63  }
0x3d: {  	s24 =	smov.u32 s23  }
0x3e: {  	p0 =	sne.s32 s23, $0x8FC0;
	s23 =	sadd.s32 $0x640, s23;
	_ =	swait.ge [sflag:s18], $0x3200  }
0x3f: {  	s24 =	sshra.s32 s24, $0x2;
	[sflag:s18] =	ssyncset.done $0x0  }
0x40: {  	s25 =	sadd.s32 $0x2710, s24;
	[sflag:s18] =	ssyncadd.s32 $0xFFFFCE00  }
0x41: {  	[spmem:s2] =	stream.indirect.scatter.add.f32 [tilespmem:s16], [sflag:$0x3], $0x40, s25, s15, $0xb8;
	[tilespmem:$0x19F20] =	vst v63  }
0x42: {  	_ =	swait.ge [sflag:s12], $0x3200  }
0x43: {  	[sflag:s12] =	ssyncset.done $0x0  }
0x44: {  	s25 =	sadd.s32 $0x190, s24;
	[sflag:s12] =	ssyncadd.s32 $0xFFFFCE00  }
0x45: {  	[tilespmem:s16], [sflag:$0x1] =	stream.indirect.gather [hbm4b:s4+s15], $0x40, s25, s15, $0xb8;
	[tilespmem:$0x19F20] =	vst v63  }
0x46: {  	_ =	swait.ge [sflag:s19], $0x3200  }
0x47: {  	[sflag:s19] =	ssyncset.done $0x0  }
.Ltmp1:
0x48: {  	s25 =	sadd.s32 $0x27D8, s24;
	[sflag:s19] =	ssyncadd.s32 $0xFFFFCE00;
	(pc) =	sbr.rel @p0 .LBB2_4-.Ltmp1, $4  }
0x49: {  	[spmem:s2] =	stream.indirect.scatter.add.f32 [tilespmem:s17], [sflag:$0x3], $0x40, s25, s15, $0xb8;
	[tilespmem:$0x19F20] =	vst v63  }
0x4a: {  	_ =	swait.ge [sflag:s12], $0x3200  }
0x4b: {  	[sflag:s12] =	ssyncset.done $0x0  }
0x4c: {  	s24 =	sadd.s32 $0x258, s24;
	[sflag:s12] =	ssyncadd.s32 $0xFFFFCE00  }
0x4d: {  	[tilespmem:s17], [sflag:$0x2] =	stream.indirect.gather [hbm4b:s4+s15], $0x40, s24, s15, $0xb8;
	[tilespmem:$0x19F20] =	vst v63  }
0x4e: {  	_ =	swait.ge [sflag:s18], $0x3200  }
0x4f: {  	[sflag:s18] =	ssyncset.done $0x0  }
0x50: {  	[sflag:s18] =	ssyncadd.s32 $0xFFFFCE00  }
0x51: {  	[spmem:s2] =	stream.indirect.scatter.add.f32 [tilespmem:s16], [sflag:$0x3], $0x40, s20, s15, $0xb8;
	[tilespmem:$0x19F20] =	vst v63  }
0x52: {  	_ =	swait.ge [sflag:s12], $0x3200  }
0x53: {  	[sflag:s12] =	ssyncset.done $0x0  }
0x54: {  	[sflag:s12] =	ssyncadd.s32 $0xFFFFCE00  }
0x55: {  	_ =	swait.ge [sflag:s19], $0x3200  }
0x56: {  	[sflag:s19] =	ssyncset.done $0x0  }
0x57: {  	[sflag:s19] =	ssyncadd.s32 $0xFFFFCE00  }
0x58: {  	[spmem:s2] =	stream.indirect.scatter.add.f32 [tilespmem:s17], [sflag:$0x3], $0x40, s21, s15, $0xb8;
	[tilespmem:$0x19F20] =	vst v63  }
0x59: {  	_ =	swait.ge [sflag:s12], $0x3200  }
0x5a: {  	[sflag:s12] =	ssyncset.done $0x0  }
0x5b: {  	[sflag:s12] =	ssyncadd.s32 $0xFFFFCE00  }
0x5c: {  	[bflag:$0x0] =	sbarrier.arrive $0xFFFF  }
0x5d: {  	[tilespmem:s14], [sflag:$0x3] =	stream.linear.gather [spmem:s7], $0x4F00, $0x38;
	[tilespmem:$0x19F20] =	vst v63  }
0x5e: {  	_ =	swait.ge [sflag:s12], $0x4F00  }
0x5f: {  	[sflag:s12] =	ssyncset.done $0x0  }
0x60: {  	[sflag:s12] =	ssyncadd.s32 $0xFFFFB100  }
0x61: {  	[hbm4b:s9+s3] =	stream.linear.scatter [tilespmem:s14], [sflag:$0x3], $0x4F00, $0x38;
	[tilespmem:$0x19F20] =	vst v63  }
0x62: {  	_ =	swait.ge [sflag:s12], $0x4F00  }
0x63: {  	[sflag:s12] =	ssyncset.done $0x0  }
0x64: {  	[sflag:s12] =	ssyncadd.s32 $0xFFFFB100  }
0x65: {  	[tilespmem:s14], [sflag:$0x3] =	stream.linear.gather [spmem:s8], $0x4F00, $0x38;
	[tilespmem:$0x19F20] =	vst v63  }
0x66: {  	s22 =	sadd.s32 $0x1, s22;
	_ =	swait.ge [sflag:s12], $0x4F00  }
0x67: {  	p0 =	sne.s32 s22, s11;
	[sflag:s12] =	ssyncset.done $0x0  }
.Ltmp2:
0x68: {  	[sflag:s12] =	ssyncadd.s32 $0xFFFFB100;
	(pc) =	sbr.rel @p0 .LBB2_1-.Ltmp2, $4  }
0x69: {  	[hbm4b:s10+s3] =	stream.linear.scatter [tilespmem:s14], [sflag:$0x3], $0x4F00, $0x38;
	[tilespmem:$0x19F20] =	vst v63  }
0x6a: {  	_ =	swait.ge [sflag:s12], $0x4F00  }
0x6b: {  	[sflag:s12] =	ssyncset.done $0x0  }
0x6c: {  	[sflag:s12] =	ssyncadd.s32 $0xFFFFB100  }
0x6d: {  	_ =	sfence.sel $0x180000  }
0x6e: {  	[bflag:$0x0] =	sbarrier.arrive $0xFFFF  }
0x6f: {  	p0 =	sne.s32 s1, $0x0;
	_ =	strace $0x9000004A  }
0x70: {  	s0 =	sadd.s32 @!p0 $0x100000, s0;
	[bflag:$0x2] =	sbarrier.arrive $0xFFFF  }
0x71: {  	[sflag:s0] =	ssyncadd.tile.s32 @!p0 $0x1;
	_ =	shalt  }
.Lfunc_end2:
_tile_overlayer_lowered:
.L_overlay_start_2:
0x72: {  	(tag) =	ssettag $0x2  }
0x73: {  	s0 =	rddreg [dreg:$0x0];
	s2 =	stileid.u32  }
0x74: {  	s1 =	rddreg [dreg:$0x1];
	p0 =	sne.s32 s2, $0x0  }
0x75: {  	s3 =	rddreg [dreg:$0x2];
	[bflag:$0x3] =	sbarrier.arrive $0xFFFF;
	s2 =	simm.s32 @!p0 $0x1C03  }
0x76: {  	[timem:s3], [sflag:s2] =	dma.local @!p0 [hbm:s0], s1  }
0x77: {  	s0 =	simm.s32 @!p0 $0x3  }
0x78: {  	_ =	swait.ge @!p0 [sflag:s0], s1  }
0x79: {  	s1 =	ssub.s32 @!p0 $0x0, s1;
	[sflag:s0] =	ssyncset.done @!p0 $0x0  }
0x7a: {  	[sflag:s0] =	ssyncadd.s32 @!p0 s1  }
0x7b: {  	[bflag:$0x3] =	sbarrier.arrive $0xFFFF  }
0x7c: {  	_ =	shalt  }

// kernel: kernel.15.cloned.1.call-start
scs
__scs_entry_jumppad:
0x0: {  	(pc) =	sbr.rel $0x88, $3  }
0x1: {  	(tag) =	ssettag $0x0;
	lr =	simm.s32 $0x1  }
0x2: {  	[smem:$0x3F9B] =	sst lr;
	_ =	strace $0xD0000000  }
0x3: {  	_ = 	snop  }
0x4: {  	_ = 	snop  }
0x5: {  	_ = 	snop  }
0x6: {  	_ = 	snop  }
0x7: {  	_ = 	snop  }
__scs_overlays_trampoline_lowered:
0x8: {  	[smem:$0x3FAA] =	sst s0  }
0x9: {  	[smem:$0x3FAB] =	sst s1  }
0xa: {  	[smem:$0x3FAC] =	sst s2  }
0xb: {  	[smem:$0x3FAD] =	sst s3  }
0xc: {  	[smem:$0x3FAE] =	sst s4  }
0xd: {  	[smem:$0x3FAF] =	sst s5  }
0xe: {  	[smem:$0x3FB0] =	sst s6  }
0xf: {  	[smem:$0x3FB1] =	sst s7  }
0x10: {  	[smem:$0x3FB2] =	sst s8  }
0x11: {  	[smem:$0x3FB3] =	sst s9;
	s0 =	simm.s32 @!p0 $0x0  }
0x12: {  	s1 =	sld [smem:$0x3F99];
	s0 =	simm.s32 @p0 $0x1  }
0x13: {  	[smem:$0x3FB4] =	sst s0;
	s0 =	simm.s32 @!p1 $0x0  }
0x14: {  	s2 =	sld [smem:$0x3F98];
	s0 =	simm.s32 @p1 $0x1  }
0x15: {  	[smem:$0x3FB5] =	sst s0;
	s0 =	simm.s32 @!p2 $0x0  }
0x16: {  	s3 =	sld [smem:$0x3FDB];
	s0 =	simm.s32 @p2 $0x1  }
0x17: {  	s4 =	simm.s32 $0x1BF5;
	[smem:$0x3FB7] =	sst s0  }
0x18: {  	s0 =	sld [smem:$0x3F9A];
	_ =	swait.ge [sflag:s4], $0x0  }
0x19: {  	s7 =	sld [smem:$0x3F9B]  }
0x1a: {  	s8 =	sadd.s32 $0xFFFFE003, lr  }
0x1b: {  	s9 =	sadd.s32 $0xFFFFFEF7, lr;
	s5 =	simm.s32 $0xFFFFFFFF;
	p2 =	slt.u32 s8, $0xFFFFF086  }
0x1c: {  	p1 =	slt.u32 s9, $0xF7A;
	s5 =	simm.s32 @!p2 $0x0  }
0x1d: {  	s5 =	simm.s32 @p1 $0x1;
	p0 =	seq.s32 s7, s2  }
0x1e: {  	s7 =	smul.u32 @!p0 $0xF7A, s2;
	p2 =	seq.s32 @!p0 s5, $0x0  }
0x1f: {  	s9 =	smul.u32 $0xF7A, s1;
	s8 =	simm.s32 @!p0 $0x1BF5;
	p2 =	por !p2, p0  }
0x20: {  	[sflag:s8] =	ssyncset.s32 @!p0 $0xFFFFF086;
	s6 =	sadd.s32 @!p0 s3, s7;
	s7 =	simm.s32 @!p0 $0x108  }
0x21: {  	s3 =	sadd.s32 s3, s9;
	s6 =	sadd.s32 @!p0 $0x88, s6;
	s7 =	simm.s32 @p2 $0x1082  }
0x22: {  	[simem:s7], [sflag:s8] =	dma.local @!p0 [hbm:s6], $0xF7A  }
0x23: {  	s9 =	sor.u32 $0xD0000000, s2;
	s6 =	simm.s32 $0x108;
	_ =	swait.ge @!p0 [sflag:s8], $0x0  }
0x24: {  	s3 =	sadd.s32 $0x88, s3;
	s6 =	simm.s32 @!p1 $0x1082;
	[sflag:s4] =	ssyncset.s32 $0xFFFFF086  }
0x25: {  	[simem:s6], [sflag:s4] =	dma.local [hbm:s3], $0xF7A  }
0x26: {  	[smem:$0x3F9B] =	sst s1;
	(tag) =	ssettag s2;
	_ =	strace s9  }
0x27: {  	s1 =	sld [smem:$0x3FAB]  }
0x28: {  	s2 =	sld [smem:$0x3FAC]  }
0x29: {  	s4 =	sld [smem:$0x3FAE]  }
0x2a: {  	p0 =	seq.s32 s5, $0x0;
	s5 =	sld [smem:$0x3FAF]  }
0x2b: {  	s6 =	sld [smem:$0x3FB0]  }
0x2c: {  	s7 =	sld [smem:$0x3FB1]  }
0x2d: {  	s3 =	simm.s32 $0x108;
	s8 =	sld [smem:$0x3FB2]  }
0x2e: {  	s3 =	simm.s32 @!p0 $0x1082;
	s9 =	sld [smem:$0x3FB3]  }
0x2f: {  	lr =	sadd.s32 s0, s3;
	s0 =	sld [smem:$0x3FAA]  }
0x30: {  	s3 =	sld [smem:$0x3FAD]  }
0x31: {  	[smem:$0x3FB6] =	sst s10  }
0x32: {  	s10 =	sld [smem:$0x3FB4];
	_ =	sdelay $0x3  }
0x33: {  	p0 =	seq.s32 s10, $0x1;
	s10 =	sld [smem:$0x3FB6];
	_ =	sdelay $0x3  }
0x34: {  	[smem:$0x3FB6] =	sst s10  }
0x35: {  	s10 =	sld [smem:$0x3FB5];
	_ =	sdelay $0x3  }
0x36: {  	p1 =	seq.s32 s10, $0x1;
	s10 =	sld [smem:$0x3FB6];
	_ =	sdelay $0x3  }
0x37: {  	[smem:$0x3FB6] =	sst s10  }
0x38: {  	s10 =	sld [smem:$0x3FB7]  }
0x39: {  	_ = 	snop;
	(pc) =	sbr.ind lr, $3  }
0x3a: {  	_ = 	snop  }
0x3b: {  	_ = 	snop  }
0x3c: {  	p2 =	seq.s32 s10, $0x1;
	s10 =	sld [smem:$0x3FB6]  }
0x3d: {  	_ =	shalt  }
0x3e: {  	_ =	shalt  }
0x3f: {  	_ =	shalt  }
0x40: {  	_ =	shalt  }
0x41: {  	_ =	shalt  }
0x42: {  	_ =	shalt  }
0x43: {  	_ =	shalt  }
0x44: {  	_ =	shalt  }
0x45: {  	_ =	shalt  }
0x46: {  	_ =	shalt  }
0x47: {  	_ =	shalt  }
0x48: {  	_ =	shalt  }
0x49: {  	_ =	shalt  }
0x4a: {  	_ =	shalt  }
0x4b: {  	_ =	shalt  }
0x4c: {  	_ =	shalt  }
0x4d: {  	_ =	shalt  }
0x4e: {  	_ =	shalt  }
0x4f: {  	_ =	shalt  }
0x50: {  	_ =	shalt  }
0x51: {  	_ =	shalt  }
0x52: {  	_ =	shalt  }
0x53: {  	_ =	shalt  }
0x54: {  	_ =	shalt  }
0x55: {  	_ =	shalt  }
0x56: {  	_ =	shalt  }
0x57: {  	_ =	shalt  }
0x58: {  	_ =	shalt  }
0x59: {  	_ =	shalt  }
0x5a: {  	_ =	shalt  }
0x5b: {  	_ =	shalt  }
0x5c: {  	_ =	shalt  }
0x5d: {  	_ =	shalt  }
0x5e: {  	_ =	shalt  }
0x5f: {  	_ =	shalt  }
0x60: {  	_ =	shalt  }
0x61: {  	_ =	shalt  }
0x62: {  	_ =	shalt  }
0x63: {  	_ =	shalt  }
0x64: {  	_ =	shalt  }
0x65: {  	_ =	shalt  }
0x66: {  	_ =	shalt  }
0x67: {  	_ =	shalt  }
0x68: {  	_ =	shalt  }
0x69: {  	_ =	shalt  }
0x6a: {  	_ =	shalt  }
0x6b: {  	_ =	shalt  }
0x6c: {  	_ =	shalt  }
0x6d: {  	_ =	shalt  }
0x6e: {  	_ =	shalt  }
0x6f: {  	_ =	shalt  }
0x70: {  	_ =	shalt  }
0x71: {  	_ =	shalt  }
0x72: {  	_ =	shalt  }
0x73: {  	_ =	shalt  }
0x74: {  	_ =	shalt  }
0x75: {  	_ =	shalt  }
0x76: {  	_ =	shalt  }
0x77: {  	_ =	shalt  }
0x78: {  	_ =	shalt  }
0x79: {  	_ =	shalt  }
0x7a: {  	_ =	shalt  }
0x7b: {  	_ =	shalt  }
0x7c: {  	_ =	shalt  }
0x7d: {  	_ =	shalt  }
0x7e: {  	_ =	shalt  }
0x7f: {  	_ =	shalt  }
0x80: {  	_ =	shalt  }
0x81: {  	_ =	shalt  }
0x82: {  	_ =	shalt  }
0x83: {  	_ =	shalt  }
0x84: {  	_ =	shalt  }
0x85: {  	_ =	shalt  }
0x86: {  	_ =	shalt  }
0x87: {  	_ =	shalt  }
.Lfunc_end0:
.L_simem_size_0:
called_computation.2_lowered:
.L_overlay_start_0:
0x88: {  	s2 =	sld [smem:$0x3FD9]  }
0x89: {  	s3 =	sld [smem:$0x3FFE];
	_ =	sdelay $0x1  }
0x8a: {  	s1 =	srdreg.scid  }
0x8b: {  	s0 =	sand.u32 $0x1, s1  }
0x8c: {  	s16 =	sshll.u32 s0, $0xA;
	s2 =	sadd.s32 s3, s2  }
0x8d: {  	s2 =	sadd.s32 s2, s16  }
0x8e: {  	[smem:$0x3FC2] =	sst s2  }
0x8f: {  	_ = 	snop  }
0x90: {  	(tm) =	ssettm $0x1  }
0x91: {  	s17 =	sld [smem:$0x3FFB];
	_ =	sdelay $0x3  }
0x92: {  	_ =	strace s17  }
0x93: {  	s2 =	sld [smem:$0x3FFC];
	_ =	sdelay $0x3  }
0x94: {  	_ =	strace s2  }
0x95: {  	s2 =	sld [smem:$0x3FFD];
	_ =	sdelay $0x3  }
0x96: {  	_ =	strace s2  }
0x97: {  	_ =	strace $0x8FFFFFFF  }
0x98: {  	s18 =	sld [smem:$0x3FDB];
	_ =	sdelay $0x1  }
0x99: {  	s19 =	simm.s32 $_scs_section_size  }
0x9a: {  	s4 =	simm.s32 $_size__tile_overlayer_lowered;
	s5 =	simm.s32 $_tile_overlayer_lowered  }
0x9b: {  	s22 =	simm.s32 $0x1BFF;
	s21 =	sshll.u32 s5, $0x1;
	s2 =	sadd.s32 s19, s18  }
0x9c: {  	s6 =	simm.s32 $0x0;
	s20 =	sshll.u32 s4, $0x1;
	s4 =	sadd.s32 s21, s2  }
0x9d: {  	[timem:s6], [sflag:s22] =	dma.local [hbm:s4], s20  }
0x9e: {  	_ =	swait.ge [sflag:s22], s20  }
0x9f: {  	s3 =	ssub.s32 $0x0, s20;
	[sflag:s22] =	ssyncset.done $0x0  }
0xa0: {  	[sflag:s22] =	ssyncadd.s32 s3;
	_ =	sdelay $0x1  }
0xa1: {  	s23 =	simm.s32 $0x1B8B  }
0xa2: {  	_ =	swait.ge [sflag:s23], $0x1  }
0xa3: {  	[sflag:s23] =	ssyncset.done $0x0  }
0xa4: {  	s25 =	simm.s32 $0x1B8E;
	s24 =	sld [smem:$0x3FFE];
	[sflag:s23] =	ssyncadd.s32 $0xFFFFFFFF  }
0xa5: {  	s26 =	simm.s32 $execute0_lowered;
	[smem:$0x3FD2] =	sst s25  }
0xa6: {  	s4 =	sshll.u32 s26, $0x1;
	_ =	strace $0x8000004C;
	[dreg:$0x1] =	wrdreg $0xFFFFFFFF  }
0xa7: {  	s28 =	simm.s32 $_size_execute0_lowered;
	s2 =	sadd.s32 s2, s4;
	[dreg:$0x0] =	wrdreg $0x0  }
0xa8: {  	s4 =	sshll.u32 s28, $0x1;
	[dreg:$0x2] =	wrdreg s2  }
0xa9: {  	[dreg:$0x3] =	wrdreg s4  }
0xaa: {  	[dreg:$0x4] =	wrdreg $0xC0  }
0xab: {  	_ =	task [dreg:s6], $0x5FFFF  }
0xac: {  	[dreg:$0x1] =	wrdreg $0xFFFFFFFF  }
0xad: {  	[dreg:$0x0] =	wrdreg $0x60  }
0xae: {  	[dreg:$0x2] =	wrdreg s24  }
0xaf: {  	[dreg:$0x3] =	wrdreg $0x101200  }
0xb0: {  	[dreg:$0x4] =	wrdreg $0x9  }
0xb1: {  	_ =	task.clear_ibuf [dreg:s6], $0x5FFFF;
	_ =	strace $0x9000004C  }
0xb2: {  	s29 =	simm.s32 $0x9;
	_ =	strace $0x8000004E  }
0xb3: {  	_ =	swait.ge [sflag:s29], $0x1  }
0xb4: {  	[sflag:s29] =	ssyncadd.s32 $0xFFFFFFFF  }
0xb5: {  	_ =	strace $0x9000004E  }
0xb6: {  	_ =	sfence  }
0xb7: {  	s30 =	sld [smem:$0x0];
	_ =	sdelay $0x2  }
0xb8: {  	s31 =	sshll.u32 s1, $0xD;
	s1 =	sshrl.u32 s1, $0x2  }
0xb9: {  	s3 =	sand.u32 $0x4000, s31;
	s1 =	sadd.s32 s1, s30  }
0xba: {  	s0 =	sor.u32 s3, s0;
	s1 =	sshll.u32 s1, $0x11  }
0xbb: {  	s0 =	sor.u32 s1, s0  }
0xbc: {  	s0 =	sadd.s32 $0x8F2B, s0  }
0xbd: {  	[sflag:s0] =	ssyncadd.remote.s32 $0x1  }
0xbe: {  	_ =	sfence.sel $0xFFFF  }
0xbf: {  	[dreg:$0x0] =	wrdreg $0xFFFFFFFF;
	(pc) =	sbr.abs _section_cstart, $3  }
0xc0: {  	[dreg:$0x1] =	wrdreg $0xFFFFFFFF  }
0xc1: {  	_ =	task.clear_ibuf [dreg:s6], $0x2FFFF;
	_ =	strace $0x9FFFFFFF  }
0xc2: {  	(tm) =	ssettm $0x7FFFFFFF  }
0xc3: {  	_ =	shalt  }
tec
execute0_lowered:
.L_overlay_start_1:
0x0: {  	(tag) =	ssettag $0x1  }
0x1: {  	s0 =	srdreg.scid;
	s5 =	rddreg [dreg:$0x0]  }
0x2: {  	s2 =	rddreg [dreg:$0x1];
	s1 =	stileid.u32  }
0x3: {  	s3 =	simm.s32 $0x0;
	s14 =	simm.s32 $0xB220;
	s15 =	simm.s32 $0xC8  }
0x4: {  	s16 =	simm.s32 $0x4E20;
	s17 =	simm.s32 $0x8020;
	s18 =	simm.s32 $0x1  }
0x5: {  	s19 =	simm.s32 $0x2;
	s20 =	simm.s32 $0x4C90;
	s21 =	simm.s32 $0x4D58  }
0x6: {  	s22 =	simm.s32 $0x0;
	s6 =	sand.u32 $0x1, s0;
	s0 =	rddreg [dreg:$0x2]  }
0x7: {  	[smem:$0x7FF] =	sst s3;
	s9 =	smul.u32 $0x9E00, s1;
	s10 =	sadd.s32 $0x29C00, s5  }
0x8: {  	s4 =	sshll.u32 s6, $0x4;
	_ =	strace $0x8000004D;
	s8 =	ssub.s32 $0x2, s6  }
0x9: {  	s11 =	smul.u32 $0x9E000, s6;
	s4 =	sor.u32 s1, s4;
	s29 =	sshrl.u32 s8, $0x1  }
0xa: {  	s30 =	sadd.s32 $0x4F00, s9;
	s7 =	smul.u32 $0x4E2, s4;
	s4 =	sadd.s32 $0x16200, s5  }
0xb: {  	s12 =	ssub.s32 s8, s29;
	s13 =	sadd.s32 s9, s11;
	s11 =	sadd.s32 s11, s30  }
0xc: {  	s8 =	sadd.s32 s30, s2;
	s31 =	sshrl.u32 s13, $0x3;
	s7 =	sadd.s32 s7, s5  }
0xd: {  	s11 =	sshrl.u32 s11, $0x3;
	s13 =	simm.s32 $0x2710;
	s5 =	sadd.s32 $0x2600, s7  }
0xe: {  	s6 =	sadd.s32 $0xC400, s7;
	s7 =	sadd.s32 s9, s2;
	s9 =	sadd.s32 s10, s31  }
0xf: {  	v0 =	vimm.f32 $0.0e+00;
	s10 =	sadd.s32 s10, s11;
	s11 =	smax.u32 s12, $0x1;
	s12 =	simm.s32 $0x3  }
.LBB2_1:
0x10: {  	[tilespmem:s3], [sflag:$0x3] =	stream.linear.gather [hbm4b:s5+s3], $0x2710, $0x38;
	[tilespmem:$0x19F20] =	vst v63  }
0x11: {  	_ =	swait.ge [sflag:s12], $0x2710  }
0x12: {  	[sflag:s12] =	ssyncset.done $0x0  }
0x13: {  	[sflag:s12] =	ssyncadd.s32 $0xFFFFD8F0  }
0x14: {  	[tilespmem:s13], [sflag:$0x3] =	stream.linear.gather [hbm4b:s6+s3], $0x2710, $0x38;
	[tilespmem:$0x19F20] =	vst v63  }
0x15: {  	_ =	swait.ge [sflag:s12], $0x2710  }
0x16: {  	[sflag:s12] =	ssyncset.done $0x0  }
0x17: {  	s24 =	simm.s32 $0x100;
	s23 =	simm.s32 $0x0;
	[sflag:s12] =	ssyncadd.s32 $0xFFFFD8F0  }
.LBB2_2:
0x18: {  	p0 =	sne.s32 s24, $0x13B00;
	[tilespmem:s23+$0xB250] =	vst v0;
	s25 =	smov.u32 s24;
	s24 =	sadd.s32 $0x100, s24  }
.Ltmp0:
0x19: {  	[tilespmem:s23+$0xB240] =	vst v0;
	(pc) =	sbr.rel @p0 .LBB2_2-.Ltmp0, $3  }
0x1a: {  	[tilespmem:s23+$0xB220] =	vst v0  }
0x1b: {  	[tilespmem:s23+$0xB230] =	vst v0;
	_ =	sdelay $0x1  }
0x1c: {  	s23 =	sshra.s32 s25, $0x2  }
0x1d: {  	[tilespmem:s23+$0xB250] =	vst v0  }
0x1e: {  	[tilespmem:s23+$0xB240] =	vst v0  }
0x1f: {  	[tilespmem:s23+$0xB220] =	vst v0  }
0x20: {  	[tilespmem:s23+$0xB230] =	vst v0  }
0x21: {  	[spmem:s7] =	stream.linear.scatter [tilespmem:s14], [sflag:$0x3], $0x4F00, $0x38;
	[tilespmem:$0x19F20] =	vst v63  }
0x22: {  	_ =	swait.ge [sflag:s12], $0x4F00  }
0x23: {  	[sflag:s12] =	ssyncset.done $0x0  }
0x24: {  	[sflag:s12] =	ssyncadd.s32 $0xFFFFB100  }
0x25: {  	[spmem:s8] =	stream.linear.scatter [tilespmem:s14], [sflag:$0x3], $0x4F00, $0x38;
	[tilespmem:$0x19F20] =	vst v63  }
0x26: {  	_ =	swait.ge [sflag:s12], $0x4F00  }
0x27: {  	[sflag:s12] =	ssyncset.done $0x0  }
0x28: {  	[sflag:s12] =	ssyncadd.s32 $0xFFFFB100  }
0x29: {  	s28 =	simm.s32 $0x0;
	[bflag:$0x0] =	sbarrier.arrive $0xFFFF  }
0x2a: {  	[tilespmem:s16], [sflag:$0x1] =	stream.indirect.gather [hbm4b:s4+s15], $0x40, s28, s15, $0xb8;
	[tilespmem:$0x19F20] =	vst v63  }
0x2b: {  	_ = 	snop  }
0x2c: {  	[tilespmem:s17], [sflag:$0x2] =	stream.indirect.gather [hbm4b:s4+s15], $0x40, s15, s15, $0xb8;
	[tilespmem:$0x19F20] =	vst v63  }
0x2d: {  	_ =	swait.ge [sflag:s18], $0x3200  }
0x2e: {  	[sflag:s18] =	ssyncset.done $0x0  }
0x2f: {  	s29 =	simm.s32 $0x2710;
	[sflag:s18] =	ssyncadd.s32 $0xFFFFCE00  }
0x30: {  	[spmem:s2] =	stream.indirect.scatter.add.f32 [tilespmem:s16], [sflag:$0x3], $0x40, s29, s15, $0xb8;
	[tilespmem:$0x19F20] =	vst v63  }
0x31: {  	_ =	swait.ge [sflag:s12], $0x3200  }
0x32: {  	[sflag:s12] =	ssyncset.done $0x0  }
0x33: {  	s30 =	simm.s32 $0x190;
	[sflag:s12] =	ssyncadd.s32 $0xFFFFCE00  }
0x34: {  	[tilespmem:s16], [sflag:$0x1] =	stream.indirect.gather [hbm4b:s4+s15], $0x40, s30, s15, $0xb8;
	[tilespmem:$0x19F20] =	vst v63  }
0x35: {  	_ =	swait.ge [sflag:s19], $0x3200  }
0x36: {  	[sflag:s19] =	ssyncset.done $0x0  }
0x37: {  	s31 =	simm.s32 $0x27D8;
	[sflag:s19] =	ssyncadd.s32 $0xFFFFCE00  }
0x38: {  	[spmem:s2] =	stream.indirect.scatter.add.f32 [tilespmem:s17], [sflag:$0x3], $0x40, s31, s15, $0xb8;
	[tilespmem:$0x19F20] =	vst v63  }
0x39: {  	_ =	swait.ge [sflag:s12], $0x3200  }
0x3a: {  	[sflag:s12] =	ssyncset.done $0x0  }
0x3b: {  	s23 =	simm.s32 $0x640;
	s24 =	simm.s32 $0x258;
	[sflag:s12] =	ssyncadd.s32 $0xFFFFCE00  }
.LBB2_4:
0x3c: {  	[tilespmem:s17], [sflag:$0x2] =	stream.indirect.gather [hbm4b:s4+s15], $0x40, s24, s15, $0xb8;
	[tilespmem:$0x19F20] =	vst v63  }
0x3d: {  	s24 =	smov.u32 s23  }
0x3e: {  	p0 =	sne.s32 s23, $0x8FC0;
	s23 =	sadd.s32 $0x640, s23;
	_ =	swait.ge [sflag:s18], $0x3200  }
0x3f: {  	s24 =	sshra.s32 s24, $0x2;
	[sflag:s18] =	ssyncset.done $0x0  }
0x40: {  	s25 =	sadd.s32 $0x2710, s24;
	[sflag:s18] =	ssyncadd.s32 $0xFFFFCE00  }
0x41: {  	[spmem:s2] =	stream.indirect.scatter.add.f32 [tilespmem:s16], [sflag:$0x3], $0x40, s25, s15, $0xb8;
	[tilespmem:$0x19F20] =	vst v63  }
0x42: {  	_ =	swait.ge [sflag:s12], $0x3200  }
0x43: {  	[sflag:s12] =	ssyncset.done $0x0  }
0x44: {  	s25 =	sadd.s32 $0x190, s24;
	[sflag:s12] =	ssyncadd.s32 $0xFFFFCE00  }
0x45: {  	[tilespmem:s16], [sflag:$0x1] =	stream.indirect.gather [hbm4b:s4+s15], $0x40, s25, s15, $0xb8;
	[tilespmem:$0x19F20] =	vst v63  }
0x46: {  	_ =	swait.ge [sflag:s19], $0x3200  }
0x47: {  	[sflag:s19] =	ssyncset.done $0x0  }
.Ltmp1:
0x48: {  	s25 =	sadd.s32 $0x27D8, s24;
	[sflag:s19] =	ssyncadd.s32 $0xFFFFCE00;
	(pc) =	sbr.rel @p0 .LBB2_4-.Ltmp1, $4  }
0x49: {  	[spmem:s2] =	stream.indirect.scatter.add.f32 [tilespmem:s17], [sflag:$0x3], $0x40, s25, s15, $0xb8;
	[tilespmem:$0x19F20] =	vst v63  }
0x4a: {  	_ =	swait.ge [sflag:s12], $0x3200  }
0x4b: {  	[sflag:s12] =	ssyncset.done $0x0  }
0x4c: {  	s24 =	sadd.s32 $0x258, s24;
	[sflag:s12] =	ssyncadd.s32 $0xFFFFCE00  }
0x4d: {  	[tilespmem:s17], [sflag:$0x2] =	stream.indirect.gather [hbm4b:s4+s15], $0x40, s24, s15, $0xb8;
	[tilespmem:$0x19F20] =	vst v63  }
0x4e: {  	_ =	swait.ge [sflag:s18], $0x3200  }
0x4f: {  	[sflag:s18] =	ssyncset.done $0x0  }
0x50: {  	[sflag:s18] =	ssyncadd.s32 $0xFFFFCE00  }
0x51: {  	[spmem:s2] =	stream.indirect.scatter.add.f32 [tilespmem:s16], [sflag:$0x3], $0x40, s20, s15, $0xb8;
	[tilespmem:$0x19F20] =	vst v63  }
0x52: {  	_ =	swait.ge [sflag:s12], $0x3200  }
0x53: {  	[sflag:s12] =	ssyncset.done $0x0  }
0x54: {  	[sflag:s12] =	ssyncadd.s32 $0xFFFFCE00  }
0x55: {  	_ =	swait.ge [sflag:s19], $0x3200  }
0x56: {  	[sflag:s19] =	ssyncset.done $0x0  }
0x57: {  	[sflag:s19] =	ssyncadd.s32 $0xFFFFCE00  }
0x58: {  	[spmem:s2] =	stream.indirect.scatter.add.f32 [tilespmem:s17], [sflag:$0x3], $0x40, s21, s15, $0xb8;
	[tilespmem:$0x19F20] =	vst v63  }
0x59: {  	_ =	swait.ge [sflag:s12], $0x3200  }
0x5a: {  	[sflag:s12] =	ssyncset.done $0x0  }
0x5b: {  	[sflag:s12] =	ssyncadd.s32 $0xFFFFCE00  }
0x5c: {  	[bflag:$0x0] =	sbarrier.arrive $0xFFFF  }
0x5d: {  	[tilespmem:s14], [sflag:$0x3] =	stream.linear.gather [spmem:s7], $0x4F00, $0x38;
	[tilespmem:$0x19F20] =	vst v63  }
0x5e: {  	_ =	swait.ge [sflag:s12], $0x4F00  }
0x5f: {  	[sflag:s12] =	ssyncset.done $0x0  }
0x60: {  	[sflag:s12] =	ssyncadd.s32 $0xFFFFB100  }
0x61: {  	[hbm4b:s9+s3] =	stream.linear.scatter [tilespmem:s14], [sflag:$0x3], $0x4F00, $0x38;
	[tilespmem:$0x19F20] =	vst v63  }
0x62: {  	_ =	swait.ge [sflag:s12], $0x4F00  }
0x63: {  	[sflag:s12] =	ssyncset.done $0x0  }
0x64: {  	[sflag:s12] =	ssyncadd.s32 $0xFFFFB100  }
0x65: {  	[tilespmem:s14], [sflag:$0x3] =	stream.linear.gather [spmem:s8], $0x4F00, $0x38;
	[tilespmem:$0x19F20] =	vst v63  }
0x66: {  	s22 =	sadd.s32 $0x1, s22;
	_ =	swait.ge [sflag:s12], $0x4F00  }
0x67: {  	p0 =	sne.s32 s22, s11;
	[sflag:s12] =	ssyncset.done $0x0  }
.Ltmp2:
0x68: {  	[sflag:s12] =	ssyncadd.s32 $0xFFFFB100;
	(pc) =	sbr.rel @p0 .LBB2_1-.Ltmp2, $4  }
0x69: {  	[hbm4b:s10+s3] =	stream.linear.scatter [tilespmem:s14], [sflag:$0x3], $0x4F00, $0x38;
	[tilespmem:$0x19F20] =	vst v63  }
0x6a: {  	_ =	swait.ge [sflag:s12], $0x4F00  }
0x6b: {  	[sflag:s12] =	ssyncset.done $0x0  }
0x6c: {  	[sflag:s12] =	ssyncadd.s32 $0xFFFFB100  }
0x6d: {  	_ =	sfence.sel $0x180000  }
0x6e: {  	[bflag:$0x0] =	sbarrier.arrive $0xFFFF  }
0x6f: {  	p0 =	sne.s32 s1, $0x0;
	_ =	strace $0x9000004D  }
0x70: {  	s0 =	sadd.s32 @!p0 $0x100000, s0;
	[bflag:$0x2] =	sbarrier.arrive $0xFFFF  }
0x71: {  	[sflag:s0] =	ssyncadd.tile.s32 @!p0 $0x1;
	_ =	shalt  }
.Lfunc_end2:
_tile_overlayer_lowered:
.L_overlay_start_2:
0x72: {  	(tag) =	ssettag $0x2  }
0x73: {  	s0 =	rddreg [dreg:$0x0];
	s2 =	stileid.u32  }
0x74: {  	s1 =	rddreg [dreg:$0x1];
	p0 =	sne.s32 s2, $0x0  }
0x75: {  	s3 =	rddreg [dreg:$0x2];
	[bflag:$0x3] =	sbarrier.arrive $0xFFFF;
	s2 =	simm.s32 @!p0 $0x1C03  }
0x76: {  	[timem:s3], [sflag:s2] =	dma.local @!p0 [hbm:s0], s1  }
0x77: {  	s0 =	simm.s32 @!p0 $0x3  }
0x78: {  	_ =	swait.ge @!p0 [sflag:s0], s1  }
0x79: {  	s1 =	ssub.s32 @!p0 $0x0, s1;
	[sflag:s0] =	ssyncset.done @!p0 $0x0  }
0x7a: {  	[sflag:s0] =	ssyncadd.s32 @!p0 s1  }
0x7b: {  	[bflag:$0x3] =	sbarrier.arrive $0xFFFF  }
0x7c: {  	_ =	shalt  }

// kernel: kernel.9.cloned.1.call-start
scs
__scs_entry_jumppad:
0x0: {  	(pc) =	sbr.rel $0x88, $3  }
0x1: {  	(tag) =	ssettag $0x0;
	lr =	simm.s32 $0x1  }
0x2: {  	[smem:$0x3F9B] =	sst lr;
	_ =	strace $0xD0000000  }
0x3: {  	_ = 	snop  }
0x4: {  	_ = 	snop  }
0x5: {  	_ = 	snop  }
0x6: {  	_ = 	snop  }
0x7: {  	_ = 	snop  }
__scs_overlays_trampoline_lowered:
0x8: {  	[smem:$0x3FAA] =	sst s0  }
0x9: {  	[smem:$0x3FAB] =	sst s1  }
0xa: {  	[smem:$0x3FAC] =	sst s2  }
0xb: {  	[smem:$0x3FAD] =	sst s3  }
0xc: {  	[smem:$0x3FAE] =	sst s4  }
0xd: {  	[smem:$0x3FAF] =	sst s5  }
0xe: {  	[smem:$0x3FB0] =	sst s6  }
0xf: {  	[smem:$0x3FB1] =	sst s7  }
0x10: {  	[smem:$0x3FB2] =	sst s8  }
0x11: {  	[smem:$0x3FB3] =	sst s9;
	s0 =	simm.s32 @!p0 $0x0  }
0x12: {  	s1 =	sld [smem:$0x3F99];
	s0 =	simm.s32 @p0 $0x1  }
0x13: {  	[smem:$0x3FB4] =	sst s0;
	s0 =	simm.s32 @!p1 $0x0  }
0x14: {  	s2 =	sld [smem:$0x3F98];
	s0 =	simm.s32 @p1 $0x1  }
0x15: {  	[smem:$0x3FB5] =	sst s0;
	s0 =	simm.s32 @!p2 $0x0  }
0x16: {  	s3 =	sld [smem:$0x3FDB];
	s0 =	simm.s32 @p2 $0x1  }
0x17: {  	s4 =	simm.s32 $0x1BF5;
	[smem:$0x3FB7] =	sst s0  }
0x18: {  	s0 =	sld [smem:$0x3F9A];
	_ =	swait.ge [sflag:s4], $0x0  }
0x19: {  	s7 =	sld [smem:$0x3F9B]  }
0x1a: {  	s8 =	sadd.s32 $0xFFFFE003, lr  }
0x1b: {  	s9 =	sadd.s32 $0xFFFFFEF7, lr;
	s5 =	simm.s32 $0xFFFFFFFF;
	p2 =	slt.u32 s8, $0xFFFFF086  }
0x1c: {  	p1 =	slt.u32 s9, $0xF7A;
	s5 =	simm.s32 @!p2 $0x0  }
0x1d: {  	s5 =	simm.s32 @p1 $0x1;
	p0 =	seq.s32 s7, s2  }
0x1e: {  	s7 =	smul.u32 @!p0 $0xF7A, s2;
	p2 =	seq.s32 @!p0 s5, $0x0  }
0x1f: {  	s9 =	smul.u32 $0xF7A, s1;
	s8 =	simm.s32 @!p0 $0x1BF5;
	p2 =	por !p2, p0  }
0x20: {  	[sflag:s8] =	ssyncset.s32 @!p0 $0xFFFFF086;
	s6 =	sadd.s32 @!p0 s3, s7;
	s7 =	simm.s32 @!p0 $0x108  }
0x21: {  	s3 =	sadd.s32 s3, s9;
	s6 =	sadd.s32 @!p0 $0x88, s6;
	s7 =	simm.s32 @p2 $0x1082  }
0x22: {  	[simem:s7], [sflag:s8] =	dma.local @!p0 [hbm:s6], $0xF7A  }
0x23: {  	s9 =	sor.u32 $0xD0000000, s2;
	s6 =	simm.s32 $0x108;
	_ =	swait.ge @!p0 [sflag:s8], $0x0  }
0x24: {  	s3 =	sadd.s32 $0x88, s3;
	s6 =	simm.s32 @!p1 $0x1082;
	[sflag:s4] =	ssyncset.s32 $0xFFFFF086  }
0x25: {  	[simem:s6], [sflag:s4] =	dma.local [hbm:s3], $0xF7A  }
0x26: {  	[smem:$0x3F9B] =	sst s1;
	(tag) =	ssettag s2;
	_ =	strace s9  }
0x27: {  	s1 =	sld [smem:$0x3FAB]  }
0x28: {  	s2 =	sld [smem:$0x3FAC]  }
0x29: {  	s4 =	sld [smem:$0x3FAE]  }
0x2a: {  	p0 =	seq.s32 s5, $0x0;
	s5 =	sld [smem:$0x3FAF]  }
0x2b: {  	s6 =	sld [smem:$0x3FB0]  }
0x2c: {  	s7 =	sld [smem:$0x3FB1]  }
0x2d: {  	s3 =	simm.s32 $0x108;
	s8 =	sld [smem:$0x3FB2]  }
0x2e: {  	s3 =	simm.s32 @!p0 $0x1082;
	s9 =	sld [smem:$0x3FB3]  }
0x2f: {  	lr =	sadd.s32 s0, s3;
	s0 =	sld [smem:$0x3FAA]  }
0x30: {  	s3 =	sld [smem:$0x3FAD]  }
0x31: {  	[smem:$0x3FB6] =	sst s10  }
0x32: {  	s10 =	sld [smem:$0x3FB4];
	_ =	sdelay $0x3  }
0x33: {  	p0 =	seq.s32 s10, $0x1;
	s10 =	sld [smem:$0x3FB6];
	_ =	sdelay $0x3  }
0x34: {  	[smem:$0x3FB6] =	sst s10  }
0x35: {  	s10 =	sld [smem:$0x3FB5];
	_ =	sdelay $0x3  }
0x36: {  	p1 =	seq.s32 s10, $0x1;
	s10 =	sld [smem:$0x3FB6];
	_ =	sdelay $0x3  }
0x37: {  	[smem:$0x3FB6] =	sst s10  }
0x38: {  	s10 =	sld [smem:$0x3FB7]  }
0x39: {  	_ = 	snop;
	(pc) =	sbr.ind lr, $3  }
0x3a: {  	_ = 	snop  }
0x3b: {  	_ = 	snop  }
0x3c: {  	p2 =	seq.s32 s10, $0x1;
	s10 =	sld [smem:$0x3FB6]  }
0x3d: {  	_ =	shalt  }
0x3e: {  	_ =	shalt  }
0x3f: {  	_ =	shalt  }
0x40: {  	_ =	shalt  }
0x41: {  	_ =	shalt  }
0x42: {  	_ =	shalt  }
0x43: {  	_ =	shalt  }
0x44: {  	_ =	shalt  }
0x45: {  	_ =	shalt  }
0x46: {  	_ =	shalt  }
0x47: {  	_ =	shalt  }
0x48: {  	_ =	shalt  }
0x49: {  	_ =	shalt  }
0x4a: {  	_ =	shalt  }
0x4b: {  	_ =	shalt  }
0x4c: {  	_ =	shalt  }
0x4d: {  	_ =	shalt  }
0x4e: {  	_ =	shalt  }
0x4f: {  	_ =	shalt  }
0x50: {  	_ =	shalt  }
0x51: {  	_ =	shalt  }
0x52: {  	_ =	shalt  }
0x53: {  	_ =	shalt  }
0x54: {  	_ =	shalt  }
0x55: {  	_ =	shalt  }
0x56: {  	_ =	shalt  }
0x57: {  	_ =	shalt  }
0x58: {  	_ =	shalt  }
0x59: {  	_ =	shalt  }
0x5a: {  	_ =	shalt  }
0x5b: {  	_ =	shalt  }
0x5c: {  	_ =	shalt  }
0x5d: {  	_ =	shalt  }
0x5e: {  	_ =	shalt  }
0x5f: {  	_ =	shalt  }
0x60: {  	_ =	shalt  }
0x61: {  	_ =	shalt  }
0x62: {  	_ =	shalt  }
0x63: {  	_ =	shalt  }
0x64: {  	_ =	shalt  }
0x65: {  	_ =	shalt  }
0x66: {  	_ =	shalt  }
0x67: {  	_ =	shalt  }
0x68: {  	_ =	shalt  }
0x69: {  	_ =	shalt  }
0x6a: {  	_ =	shalt  }
0x6b: {  	_ =	shalt  }
0x6c: {  	_ =	shalt  }
0x6d: {  	_ =	shalt  }
0x6e: {  	_ =	shalt  }
0x6f: {  	_ =	shalt  }
0x70: {  	_ =	shalt  }
0x71: {  	_ =	shalt  }
0x72: {  	_ =	shalt  }
0x73: {  	_ =	shalt  }
0x74: {  	_ =	shalt  }
0x75: {  	_ =	shalt  }
0x76: {  	_ =	shalt  }
0x77: {  	_ =	shalt  }
0x78: {  	_ =	shalt  }
0x79: {  	_ =	shalt  }
0x7a: {  	_ =	shalt  }
0x7b: {  	_ =	shalt  }
0x7c: {  	_ =	shalt  }
0x7d: {  	_ =	shalt  }
0x7e: {  	_ =	shalt  }
0x7f: {  	_ =	shalt  }
0x80: {  	_ =	shalt  }
0x81: {  	_ =	shalt  }
0x82: {  	_ =	shalt  }
0x83: {  	_ =	shalt  }
0x84: {  	_ =	shalt  }
0x85: {  	_ =	shalt  }
0x86: {  	_ =	shalt  }
0x87: {  	_ =	shalt  }
.Lfunc_end0:
.L_simem_size_0:
called_computation_lowered:
.L_overlay_start_0:
0x88: {  	s2 =	sld [smem:$0x3FD9]  }
0x89: {  	s3 =	sld [smem:$0x3FFE];
	_ =	sdelay $0x1  }
0x8a: {  	s1 =	srdreg.scid  }
0x8b: {  	s0 =	sand.u32 $0x1, s1  }
0x8c: {  	s17 =	sshll.u32 s0, $0xA;
	s2 =	sadd.s32 s3, s2  }
0x8d: {  	s2 =	sadd.s32 s2, s17  }
0x8e: {  	[smem:$0x3FC2] =	sst s2  }
0x8f: {  	_ = 	snop  }
0x90: {  	s2 =	sld [smem:$0x3FD0];
	(tm) =	ssettm $0x1  }
0x91: {  	s18 =	sld [smem:$0x3FFB];
	_ =	sdelay $0x3  }
0x92: {  	_ =	strace s18  }
0x93: {  	s3 =	sld [smem:$0x3FFC];
	_ =	sdelay $0x3  }
0x94: {  	_ =	strace s3  }
0x95: {  	s3 =	sld [smem:$0x3FFD];
	_ =	sdelay $0x3  }
0x96: {  	_ =	strace s3  }
0x97: {  	_ =	strace $0x8FFFFFFF  }
0x98: {  	s19 =	sld [smem:$0x3FDB];
	_ =	sdelay $0x1  }
0x99: {  	s4 =	simm.s32 $_scs_section_size  }
0x9a: {  	s5 =	simm.s32 $_size__tile_overlayer_lowered;
	s6 =	simm.s32 $_tile_overlayer_lowered  }
0x9b: {  	s22 =	simm.s32 $0x1BFF;
	s21 =	sshll.u32 s6, $0x1;
	s3 =	sadd.s32 s4, s19  }
0x9c: {  	s7 =	simm.s32 $0x0;
	s20 =	sshll.u32 s5, $0x1;
	s5 =	sadd.s32 s21, s3  }
0x9d: {  	[timem:s7], [sflag:s22] =	dma.local [hbm:s5], s20  }
0x9e: {  	_ =	swait.ge [sflag:s22], s20  }
0x9f: {  	s4 =	ssub.s32 $0x0, s20;
	[sflag:s22] =	ssyncset.done $0x0  }
0xa0: {  	[sflag:s22] =	ssyncadd.s32 s4;
	_ =	sdelay $0x1  }
0xa1: {  	s23 =	simm.s32 $0x1B8B  }
0xa2: {  	_ =	swait.ge [sflag:s23], $0x1  }
0xa3: {  	[sflag:s23] =	ssyncset.done $0x0  }
0xa4: {  	s25 =	simm.s32 $0x1B8E;
	s24 =	sld [smem:$0x3FFE];
	[sflag:s23] =	ssyncadd.s32 $0xFFFFFFFF  }
0xa5: {  	s26 =	simm.s32 $execute0_lowered;
	[smem:$0x3FD2] =	sst s25  }
0xa6: {  	s5 =	sshll.u32 s26, $0x1;
	_ =	strace $0x80000046;
	[dreg:$0x1] =	wrdreg $0xFFFFFFFF  }
0xa7: {  	s28 =	simm.s32 $_size_execute0_lowered;
	s3 =	sadd.s32 s3, s5;
	[dreg:$0x0] =	wrdreg $0x0  }
0xa8: {  	s5 =	sshll.u32 s28, $0x1;
	[dreg:$0x2] =	wrdreg s3  }
0xa9: {  	[dreg:$0x3] =	wrdreg s5  }
0xaa: {  	[dreg:$0x4] =	wrdreg $0xC0  }
0xab: {  	_ =	task [dreg:s7], $0x5FFFF  }
0xac: {  	[dreg:$0x1] =	wrdreg $0xFFFFFFFF  }
0xad: {  	[dreg:$0x0] =	wrdreg $0x60  }
0xae: {  	[dreg:$0x2] =	wrdreg s24  }
0xaf: {  	[dreg:$0x3] =	wrdreg s2  }
0xb0: {  	[dreg:$0x4] =	wrdreg $0x12180  }
0xb1: {  	[dreg:$0x5] =	wrdreg $0x9  }
0xb2: {  	_ =	task.clear_ibuf [dreg:s7], $0x6FFFF;
	_ =	strace $0x90000046  }
0xb3: {  	s29 =	simm.s32 $0x9;
	_ =	strace $0x80000048  }
0xb4: {  	_ =	swait.ge [sflag:s29], $0x1  }
0xb5: {  	[sflag:s29] =	ssyncadd.s32 $0xFFFFFFFF  }
0xb6: {  	_ =	strace $0x90000048  }
0xb7: {  	_ =	sfence  }
0xb8: {  	s30 =	sld [smem:$0x0];
	_ =	sdelay $0x2  }
0xb9: {  	s31 =	sshll.u32 s1, $0xD;
	s1 =	sshrl.u32 s1, $0x2  }
0xba: {  	s3 =	sand.u32 $0x4000, s31;
	s1 =	sadd.s32 s1, s30  }
0xbb: {  	s0 =	sor.u32 s3, s0;
	s1 =	sshll.u32 s1, $0x11  }
0xbc: {  	s0 =	sor.u32 s1, s0  }
0xbd: {  	s0 =	sadd.s32 $0x8F2B, s0  }
0xbe: {  	[sflag:s0] =	ssyncadd.remote.s32 $0x1  }
0xbf: {  	_ =	sfence.sel $0xFFFF  }
0xc0: {  	[dreg:$0x0] =	wrdreg $0xFFFFFFFF;
	(pc) =	sbr.abs _section_cstart, $3  }
0xc1: {  	[dreg:$0x1] =	wrdreg $0xFFFFFFFF  }
0xc2: {  	_ =	task.clear_ibuf [dreg:s7], $0x2FFFF;
	_ =	strace $0x9FFFFFFF  }
0xc3: {  	(tm) =	ssettm $0x7FFFFFFF  }
tec
execute0_lowered:
.L_overlay_start_1:
0x0: {  	(tag) =	ssettag $0x1  }
0x1: {  	s5 =	rddreg [dreg:$0x0]  }
0x2: {  	s6 =	rddreg [dreg:$0x1]  }
0x3: {  	s0 =	srdreg.scid;
	s2 =	rddreg [dreg:$0x2]  }
0x4: {  	s3 =	simm.s32 $0x0;
	s12 =	simm.s32 $0xFA0;
	s13 =	simm.s32 $0x1  }
0x5: {  	s14 =	simm.s32 $0x7D0;
	s4 =	sand.u32 $0x1, s0;
	s0 =	stileid.u32  }
0x6: {  	s15 =	simm.s32 $0x0;
	s1 =	sshll.u32 s4, $0x4;
	s8 =	smul.u32 $0x278, s0  }
0x7: {  	s9 =	smul.u32 $0x2780, s4;
	s4 =	ssub.s32 $0x2, s4;
	s1 =	sor.u32 s0, s1  }
0x8: {  	[smem:$0x7FF] =	sst s3;
	s10 =	sshrl.u32 s4, $0x1;
	s7 =	smul.u32 $0x2710, s1  }
0x9: {  	s1 =	rddreg [dreg:$0x3];
	_ =	strace $0x80000047;
	s9 =	sadd.s32 s8, s9  }
0xa: {  	s30 =	ssub.s32 s4, s10;
	s31 =	sshrl.u32 s9, $0x3;
	s7 =	sshrl.u32 s7, $0x3  }
0xb: {  	s4 =	sadd.s32 s8, s2;
	s11 =	sadd.s32 s7, s5;
	s5 =	sadd.s32 s6, s31  }
0xc: {  	s7 =	smax.u32 s30, $0x1;
	s6 =	sadd.s32 $0xC400, s11;
	s8 =	sadd.s32 $0xC4FA, s11  }
0xd: {  	v0 =	vimm.f32 $1.000000000e+00;
	v1 =	vimm.f32 $0.0e+00;
	s9 =	sadd.s32 $0xC5F4, s11;
	s10 =	sadd.s32 $0xC6EE, s11;
	s11 =	sadd.s32 $0xC7E8, s11  }
.LBB2_1:
0xe: {  	s16 =	simm.s32 $0x40;
	s17 =	simm.s32 $0x0  }
.LBB2_2:
0xf: {  	p0 =	sne.s32 s16, $0x1F00;
	[tilespmem:s17+$0x7D0] =	vst v0;
	s17 =	smov.u32 s16;
	s16 =	sadd.s32 $0x40, s16  }
.Ltmp0:
0x10: {  	(pc) =	sbr.rel @p0 .LBB2_2-.Ltmp0, $2  }
0x11: {  	_ =	sdelay $0x2  }
0x12: {  	s17 =	sshra.s32 s17, $0x2  }
0x13: {  	[tilespmem:s17+$0x7D0] =	vst v0  }
0x14: {  	[tilespmem:$0xFA0] =	vst v1  }
0x15: {  	[tilespmem:$0xFB0] =	vst v1  }
0x16: {  	[tilespmem:$0xFC0] =	vst v1  }
0x17: {  	[tilespmem:$0xFD0] =	vst v1  }
0x18: {  	[tilespmem:$0xFE0] =	vst v1  }
0x19: {  	[tilespmem:$0xFF0] =	vst v1  }
0x1a: {  	[tilespmem:$0x1000] =	vst v1  }
0x1b: {  	[tilespmem:$0x1010] =	vst v1  }
0x1c: {  	[tilespmem:$0x1020] =	vst v1  }
0x1d: {  	[tilespmem:$0x1030] =	vst v1  }
0x1e: {  	[tilespmem:$0x1040] =	vst v1  }
0x1f: {  	[tilespmem:$0x1050] =	vst v1  }
0x20: {  	[tilespmem:$0x1060] =	vst v1  }
0x21: {  	[tilespmem:$0x1070] =	vst v1  }
0x22: {  	[tilespmem:$0x1080] =	vst v1  }
0x23: {  	[tilespmem:$0x1090] =	vst v1  }
0x24: {  	[tilespmem:$0x10A0] =	vst v1  }
0x25: {  	[tilespmem:$0x10B0] =	vst v1  }
0x26: {  	[tilespmem:$0x10C0] =	vst v1  }
0x27: {  	[tilespmem:$0x10D0] =	vst v1  }
0x28: {  	[tilespmem:$0x10E0] =	vst v1  }
0x29: {  	[tilespmem:$0x10F0] =	vst v1  }
0x2a: {  	[tilespmem:$0x1100] =	vst v1  }
0x2b: {  	[tilespmem:$0x1110] =	vst v1  }
0x2c: {  	[tilespmem:$0x1120] =	vst v1  }
0x2d: {  	[tilespmem:$0x1130] =	vst v1  }
0x2e: {  	[tilespmem:$0x1140] =	vst v1  }
0x2f: {  	[tilespmem:$0x1150] =	vst v1  }
0x30: {  	[tilespmem:$0x1160] =	vst v1  }
0x31: {  	[tilespmem:$0x1170] =	vst v1  }
0x32: {  	[tilespmem:$0x1180] =	vst v1  }
0x33: {  	[tilespmem:$0x1190] =	vst v1  }
0x34: {  	[tilespmem:$0x11A0] =	vst v1  }
0x35: {  	[tilespmem:$0x11B0] =	vst v1  }
0x36: {  	[tilespmem:$0x11C0] =	vst v1  }
0x37: {  	[tilespmem:$0x11D0] =	vst v1  }
0x38: {  	[tilespmem:$0x11E0] =	vst v1  }
0x39: {  	[tilespmem:$0x11F0] =	vst v1  }
0x3a: {  	[tilespmem:$0x1200] =	vst v1  }
0x3b: {  	[tilespmem:$0x1210] =	vst v1  }
0x3c: {  	[spmem:s4] =	stream.linear.scatter [tilespmem:s12], [sflag:$0x1], $0x278, $0x38;
	[tilespmem:$0x1490] =	vst v63  }
0x3d: {  	_ =	swait.ge [sflag:s13], $0x278  }
0x3e: {  	[sflag:s13] =	ssyncset.done $0x0  }
0x3f: {  	[sflag:s13] =	ssyncadd.s32 $0xFFFFFD88  }
0x40: {  	[bflag:$0x0] =	sbarrier.arrive $0xFFFF  }
0x41: {  	[tilespmem:s3], [sflag:$0x1] =	stream.linear.gather [hbm4b:s6+s3], $0x7D0, $0x38;
	[tilespmem:$0x1490] =	vst v63  }
0x42: {  	_ =	swait.ge [sflag:s13], $0x7D0  }
0x43: {  	[sflag:s13] =	ssyncset.done $0x0  }
0x44: {  	[sflag:s13] =	ssyncadd.s32 $0xFFFFF830  }
0x45: {  	[spmem:s2] =	stream.indirect.scatter.add.f32 [tilespmem:s14], [sflag:$0x1], $0x1, s3, s14, $0xb8;
	[tilespmem:$0x1490] =	vst v63  }
0x46: {  	_ =	swait.ge [sflag:s13], $0x7D0  }
0x47: {  	[sflag:s13] =	ssyncset.done $0x0  }
0x48: {  	[sflag:s13] =	ssyncadd.s32 $0xFFFFF830  }
0x49: {  	[tilespmem:s3], [sflag:$0x1] =	stream.linear.gather [hbm4b:s8+s3], $0x7D0, $0x38;
	[tilespmem:$0x1490] =	vst v63  }
0x4a: {  	_ =	swait.ge [sflag:s13], $0x7D0  }
0x4b: {  	[sflag:s13] =	ssyncset.done $0x0  }
0x4c: {  	[sflag:s13] =	ssyncadd.s32 $0xFFFFF830  }
0x4d: {  	[spmem:s2] =	stream.indirect.scatter.add.f32 [tilespmem:s14], [sflag:$0x1], $0x1, s3, s14, $0xb8;
	[tilespmem:$0x1490] =	vst v63  }
0x4e: {  	_ =	swait.ge [sflag:s13], $0x7D0  }
0x4f: {  	[sflag:s13] =	ssyncset.done $0x0  }
0x50: {  	[sflag:s13] =	ssyncadd.s32 $0xFFFFF830  }
0x51: {  	[tilespmem:s3], [sflag:$0x1] =	stream.linear.gather [hbm4b:s9+s3], $0x7D0, $0x38;
	[tilespmem:$0x1490] =	vst v63  }
0x52: {  	_ =	swait.ge [sflag:s13], $0x7D0  }
0x53: {  	[sflag:s13] =	ssyncset.done $0x0  }
0x54: {  	[sflag:s13] =	ssyncadd.s32 $0xFFFFF830  }
0x55: {  	[spmem:s2] =	stream.indirect.scatter.add.f32 [tilespmem:s14], [sflag:$0x1], $0x1, s3, s14, $0xb8;
	[tilespmem:$0x1490] =	vst v63  }
0x56: {  	_ =	swait.ge [sflag:s13], $0x7D0  }
0x57: {  	[sflag:s13] =	ssyncset.done $0x0  }
0x58: {  	[sflag:s13] =	ssyncadd.s32 $0xFFFFF830  }
0x59: {  	[tilespmem:s3], [sflag:$0x1] =	stream.linear.gather [hbm4b:s10+s3], $0x7D0, $0x38;
	[tilespmem:$0x1490] =	vst v63  }
0x5a: {  	_ =	swait.ge [sflag:s13], $0x7D0  }
0x5b: {  	[sflag:s13] =	ssyncset.done $0x0  }
0x5c: {  	[sflag:s13] =	ssyncadd.s32 $0xFFFFF830  }
0x5d: {  	[spmem:s2] =	stream.indirect.scatter.add.f32 [tilespmem:s14], [sflag:$0x1], $0x1, s3, s14, $0xb8;
	[tilespmem:$0x1490] =	vst v63  }
0x5e: {  	_ =	swait.ge [sflag:s13], $0x7D0  }
0x5f: {  	[sflag:s13] =	ssyncset.done $0x0  }
0x60: {  	[sflag:s13] =	ssyncadd.s32 $0xFFFFF830  }
0x61: {  	[tilespmem:s3], [sflag:$0x1] =	stream.linear.gather [hbm4b:s11+s3], $0x7D0, $0x38;
	[tilespmem:$0x1490] =	vst v63  }
0x62: {  	_ =	swait.ge [sflag:s13], $0x7D0  }
0x63: {  	[sflag:s13] =	ssyncset.done $0x0  }
0x64: {  	[sflag:s13] =	ssyncadd.s32 $0xFFFFF830  }
0x65: {  	[spmem:s2] =	stream.indirect.scatter.add.f32 [tilespmem:s14], [sflag:$0x1], $0x1, s3, s14, $0xb8;
	[tilespmem:$0x1490] =	vst v63  }
0x66: {  	_ =	swait.ge [sflag:s13], $0x7D0  }
0x67: {  	[sflag:s13] =	ssyncset.done $0x0  }
0x68: {  	[sflag:s13] =	ssyncadd.s32 $0xFFFFF830  }
0x69: {  	[bflag:$0x0] =	sbarrier.arrive $0xFFFF  }
0x6a: {  	[tilespmem:s12], [sflag:$0x1] =	stream.linear.gather [spmem:s4], $0x278, $0x38;
	[tilespmem:$0x1490] =	vst v63  }
0x6b: {  	s15 =	sadd.s32 $0x1, s15;
	_ =	swait.ge [sflag:s13], $0x278  }
0x6c: {  	p0 =	sne.s32 s15, s7;
	[sflag:s13] =	ssyncset.done $0x0  }
.Ltmp1:
0x6d: {  	[sflag:s13] =	ssyncadd.s32 $0xFFFFFD88;
	(pc) =	sbr.rel @p0 .LBB2_1-.Ltmp1, $4  }
0x6e: {  	[hbm4b:s5+s3] =	stream.linear.scatter [tilespmem:s12], [sflag:$0x1], $0x278, $0x38;
	[tilespmem:$0x1490] =	vst v63  }
0x6f: {  	_ =	swait.ge [sflag:s13], $0x278  }
0x70: {  	[sflag:s13] =	ssyncset.done $0x0  }
0x71: {  	[sflag:s13] =	ssyncadd.s32 $0xFFFFFD88  }
0x72: {  	_ =	sfence.sel $0x180000  }
0x73: {  	[bflag:$0x0] =	sbarrier.arrive $0xFFFF  }
0x74: {  	p0 =	sne.s32 s0, $0x0;
	_ =	strace $0x90000047  }
0x75: {  	s0 =	sadd.s32 @!p0 $0x100000, s1;
	[bflag:$0x2] =	sbarrier.arrive $0xFFFF  }
0x76: {  	[sflag:s0] =	ssyncadd.tile.s32 @!p0 $0x1;
	_ =	shalt  }
.Lfunc_end2:
_tile_overlayer_lowered:
.L_overlay_start_2:
0x77: {  	(tag) =	ssettag $0x2  }
0x78: {  	s0 =	rddreg [dreg:$0x0];
	s2 =	stileid.u32  }
0x79: {  	s1 =	rddreg [dreg:$0x1];
	p0 =	sne.s32 s2, $0x0  }
0x7a: {  	s3 =	rddreg [dreg:$0x2];
	[bflag:$0x3] =	sbarrier.arrive $0xFFFF;
	s2 =	simm.s32 @!p0 $0x1C01  }
0x7b: {  	[timem:s3], [sflag:s2] =	dma.local @!p0 [hbm:s0], s1  }
0x7c: {  	s0 =	simm.s32 @!p0 $0x1  }
0x7d: {  	_ =	swait.ge @!p0 [sflag:s0], s1  }
0x7e: {  	s1 =	ssub.s32 @!p0 $0x0, s1;
	[sflag:s0] =	ssyncset.done @!p0 $0x0  }
0x7f: {  	[sflag:s0] =	ssyncadd.s32 @!p0 s1  }
0x80: {  	[bflag:$0x3] =	sbarrier.arrive $0xFFFF  }
0x81: {  	_ =	shalt  }

</sc_bundles>
